<compile_context>
chip_gen: v7x
topology: tpu7x:2x2x1
jax: 0.10.2.dev20260603
libtpu: 0.0.44.dev20260713+nightly
codegen_flags: <defaults>
</compile_context>

<pallas_src>
import functools

import jax
import jax.numpy as jnp
from jax import lax
from jax.experimental import pallas as pl
from jax.experimental.pallas import tpu as pltpu
from jax.experimental.pallas import tpu_sc as plsc

N = 10000
D = 128
E = 320000
OUT_C = 2

NC = 2
NS = 16
NW = NC * NS
EPT = E // NW
BLK = 128
NBLK = 79
EPT_PAD = NBLK * BLK
NPAD = N + 16
RZ = NPAD // NS
RO = 624
RO_TAIL = N - NS * RO
DEGW = 16

ROWS = 1000
GRID = N // ROWS


def _sc_mesh():
    return plsc.VectorSubcoreMesh(core_axis_name="c", subcore_axis_name="s")


@functools.partial(
    pl.kernel,
    out_type=jax.ShapeDtypeStruct((NC, N, D), jnp.float32),
    mesh=_sc_mesh(),
    scratch_types=[
        pltpu.VMEM((NBLK, BLK), jnp.int32),
        pltpu.VMEM((BLK, D), jnp.float32),
        pltpu.VMEM_SHARED((NPAD, D), jnp.float32),
    ],
)
def _deg_kernel(srch, deg_out, idx_v, buf, acc):
    c = lax.axis_index("c")
    s = lax.axis_index("s")
    wid = c * NS + s

    def _fill(val):
        def row(i, carry):
            for k2 in range(D // 16):
                buf[i, pl.ds(k2 * 16, 16)] = jnp.full((16,), val, jnp.float32)
            return carry
        lax.fori_loop(0, BLK, row, 0)

    _fill(0.0)
    zbase = s * RZ
    for k in range(RZ // BLK):
        pltpu.sync_copy(buf, acc.at[pl.ds(zbase + k * BLK, BLK)])
    rem = RZ % BLK
    pltpu.sync_copy(buf.at[pl.ds(0, rem)],
                    acc.at[pl.ds(zbase + (RZ // BLK) * BLK, rem)])
    plsc.subcore_barrier()

    _fill(1.0)
    pltpu.sync_copy(srch.at[wid], idx_v)

    def blk(j, carry):
        pltpu.sync_copy(buf, acc.at[idx_v.at[j]], add=True)
        return carry
    lax.fori_loop(0, NBLK, blk, 0)
    plsc.subcore_barrier()

    pltpu.sync_copy(acc.at[pl.ds(s * RO, RO)],
                    deg_out.at[c, pl.ds(s * RO, RO)])

    @pl.when(s == 0)
    def _tail():
        pltpu.sync_copy(acc.at[pl.ds(NS * RO, RO_TAIL)],
                        deg_out.at[c, pl.ds(NS * RO, RO_TAIL)])


@functools.partial(
    pl.kernel,
    out_type=jax.ShapeDtypeStruct((NC, N, D), jnp.float32),
    mesh=_sc_mesh(),
    scratch_types=[
        pltpu.VMEM((NBLK, BLK), jnp.int32),
        pltpu.VMEM((NBLK, BLK), jnp.int32),
        pltpu.VMEM((BLK, D), jnp.float32),
        pltpu.VMEM_SHARED((NPAD, D), jnp.float32),
        pltpu.SemaphoreType.DMA,
    ],
)
def _prop_kernel(q, srcg, dstb, s_out, src_v, dst_v, buf, acc, sem):
    c = lax.axis_index("c")
    s = lax.axis_index("s")
    wid = c * NS + s

    def zrow(i, carry):
        for k2 in range(D // 16):
            buf[i, pl.ds(k2 * 16, 16)] = jnp.zeros((16,), jnp.float32)
        return carry
    lax.fori_loop(0, BLK, zrow, 0)
    zbase = s * RZ
    for k in range(RZ // BLK):
        pltpu.sync_copy(buf, acc.at[pl.ds(zbase + k * BLK, BLK)])
    rem = RZ % BLK
    pltpu.sync_copy(buf.at[pl.ds(0, rem)],
                    acc.at[pl.ds(zbase + (RZ // BLK) * BLK, rem)])
    plsc.subcore_barrier()

    pltpu.sync_copy(srcg.at[wid], src_v)
    pltpu.sync_copy(dstb.at[wid], dst_v)

    def blk(j, carry):
        pltpu.async_copy(q.at[src_v.at[j]], buf, sem).wait()
        pltpu.sync_copy(buf, acc.at[dst_v.at[j]], add=True)
        return carry
    lax.fori_loop(0, NBLK, blk, 0)
    plsc.subcore_barrier()

    pltpu.sync_copy(acc.at[pl.ds(s * RO, RO)],
                    s_out.at[c, pl.ds(s * RO, RO)])

    @pl.when(s == 0)
    def _tail():
        pltpu.sync_copy(acc.at[pl.ds(NS * RO, RO_TAIL)],
                        s_out.at[c, pl.ds(NS * RO, RO_TAIL)])


def _dot(a, b):
    return jnp.dot(a, b, preferred_element_type=jnp.float32)


def _tc1_body(x_ref, d0_ref, d1_ref, w1_ref, b1_ref, w2_ref, b2_ref, cw1_ref,
              h_ref, q_ref, dis_ref):
    h = jax.nn.relu(_dot(x_ref[...], w1_ref[...]) + b1_ref[...])
    h = jax.nn.relu(_dot(h, w2_ref[...]) + b2_ref[...])
    deg = d0_ref[:, 0:1] + d1_ref[:, 0:1]
    dis = jnp.where(deg > 0, 1.0 / jnp.sqrt(jnp.maximum(deg, 1e-12)), 0.0)
    h_ref[...] = h
    q_ref[...] = -dis * _dot(h, cw1_ref[...])
    dis_ref[...] = jnp.broadcast_to(dis, (ROWS, DEGW))


def _tc2_body(h_ref, s0_ref, s1_ref, dis_ref, w0_ref, b_ref, cwn_ref,
              h2_ref, q2_ref):
    dis = dis_ref[:, 0:1]
    h2 = _dot(h_ref[...], w0_ref[...]) + dis * (s0_ref[...] + s1_ref[...]) + b_ref[...]
    h2_ref[...] = h2
    q2_ref[...] = -dis * _dot(h2, cwn_ref[...])


def _tc3_body(h_ref, s0_ref, s1_ref, dis_ref, w0_ref, b_ref, w3_ref, b3_ref,
              w4_ref, b4_ref, o_ref):
    dis = dis_ref[:, 0:1]
    h3 = _dot(h_ref[...], w0_ref[...]) + dis * (s0_ref[...] + s1_ref[...]) + b_ref[...]
    h4 = jax.nn.relu(_dot(h3, w3_ref[...]) + b3_ref[...])
    o_ref[...] = _dot(h4, w4_ref[...]) + b4_ref[...]


def _row_spec(w):
    return pl.BlockSpec((ROWS, w), lambda i: (i, 0))


def _full_spec(r, w):
    return pl.BlockSpec((r, w), lambda i: (0, 0))


def _tc1(x, d0, d1, w1, b1, w2, b2, cw1):
    return pl.pallas_call(
        _tc1_body,
        grid=(GRID,),
        in_specs=[
            _row_spec(D), _row_spec(D), _row_spec(D),
            _full_spec(D, D), _full_spec(1, D),
            _full_spec(D, D), _full_spec(1, D),
            _full_spec(D, D),
        ],
        out_specs=[_row_spec(D), _row_spec(D), _row_spec(DEGW)],
        out_shape=[
            jax.ShapeDtypeStruct((N, D), jnp.float32),
            jax.ShapeDtypeStruct((N, D), jnp.float32),
            jax.ShapeDtypeStruct((N, DEGW), jnp.float32),
        ],
    )(x, d0, d1, w1, b1, w2, b2, cw1)


def _tc2(h, s0, s1, dis, w0, b, cwn):
    return pl.pallas_call(
        _tc2_body,
        grid=(GRID,),
        in_specs=[
            _row_spec(D), _row_spec(D), _row_spec(D), _row_spec(DEGW),
            _full_spec(D, D), _full_spec(1, D), _full_spec(D, D),
        ],
        out_specs=[_row_spec(D), _row_spec(D)],
        out_shape=[
            jax.ShapeDtypeStruct((N, D), jnp.float32),
            jax.ShapeDtypeStruct((N, D), jnp.float32),
        ],
    )(h, s0, s1, dis, w0, b, cwn)


def _tc3(h, s0, s1, dis, w0, b, w3, b3, w4, b4):
    return pl.pallas_call(
        _tc3_body,
        grid=(GRID,),
        in_specs=[
            _row_spec(D), _row_spec(D), _row_spec(D), _row_spec(DEGW),
            _full_spec(D, D), _full_spec(1, D),
            _full_spec(D, D), _full_spec(1, D),
            _full_spec(D, OUT_C), _full_spec(1, OUT_C),
        ],
        out_specs=_row_spec(OUT_C),
        out_shape=jax.ShapeDtypeStruct((N, OUT_C), jnp.float32),
    )(h, s0, s1, dis, w0, b, w3, b3, w4, b4)


def kernel(in_feat, edge_index, l1_W, l1_b, l2_W, l2_b,
           c1_W0, c1_W1, c1_b, c2_W0, c2_W1, c2_b,
           l3_W, l3_b, l4_W, l4_b):
    src = edge_index[0].reshape(NW, EPT)
    dst = edge_index[1].reshape(NW, EPT)
    pad = EPT_PAD - EPT
    sink = jnp.broadcast_to(
        N + (jnp.arange(NW, dtype=jnp.int32) % (NPAD - N))[:, None],
        (NW, pad))
    srcg = jnp.pad(src, ((0, 0), (0, pad))).reshape(NW, NBLK, BLK)
    srch = jnp.concatenate([src, sink], axis=1).reshape(NW, NBLK, BLK)
    dstb = jnp.concatenate([dst, sink], axis=1).reshape(NW, NBLK, BLK)

    b1 = l1_b.reshape(1, D)
    b2 = l2_b.reshape(1, D)
    cb1 = c1_b.reshape(1, D)
    cb2 = c2_b.reshape(1, D)
    b3 = l3_b.reshape(1, D)
    b4 = l4_b.reshape(1, OUT_C)

    deg2 = _deg_kernel(srch)
    h1, q1, dis16 = _tc1(in_feat, deg2[0], deg2[1], l1_W, b1, l2_W, b2, c1_W1)
    s1 = _prop_kernel(q1, srcg, dstb)
    h2, q2 = _tc2(h1, s1[0], s1[1], dis16, c1_W0, cb1, c2_W1)
    s2 = _prop_kernel(q2, srcg, dstb)
    return _tc3(h2, s2[0], s2[1], dis16, c2_W0, cb2, l3_W, b3, l4_W, b4)

# --- scband reference (transcript-rebuilt; emitter-appended) ---
"""Pipeline reference for scband-cheb-conv-gad-c-65300682768503 (READ-ONLY COPY).

The authoritative reference and input builder live on the scoring server;
editing this copy changes nothing except your own understanding.
"""

import jax, jax.numpy as jnp
import numpy as np

N = 10000
E = 320000
D = 128
C = 2


def _w(k, shape):
    return jax.random.normal(k, shape, dtype=jnp.float32) * 0.05


def setup_inputs(seed=0):
    key = jax.random.key(seed)
    ks = jax.random.split(key, 20)
    x = jax.random.normal(ks[0], (N, D), dtype=jnp.float32)
    edge_index = jax.random.randint(ks[1], (2, E), 0, N, dtype=jnp.int32)
    return {
        "in_feat": x,
        "edge_index": edge_index,
        "l1_W": _w(ks[2], (D, D)), "l1_b": jnp.zeros((D,), jnp.float32),
        "l2_W": _w(ks[3], (D, D)), "l2_b": jnp.zeros((D,), jnp.float32),
        "c1_W0": _w(ks[4], (D, D)), "c1_W1": _w(ks[5], (D, D)), "c1_b": jnp.zeros((D,), jnp.float32),
        "c2_W0": _w(ks[6], (D, D)), "c2_W1": _w(ks[7], (D, D)), "c2_b": jnp.zeros((D,), jnp.float32),
        "l3_W": _w(ks[8], (D, D)), "l3_b": jnp.zeros((D,), jnp.float32),
        "l4_W": _w(ks[9], (D, C)), "l4_b": jnp.zeros((C,), jnp.float32),
    }


def _cheb_prop(x, src, dst, n):
    # PyG ChebConv with normalization='sym', lambda_max=2.0:
    # L_hat = 2L/lambda_max - I = -D^{-1/2} A D^{-1/2} (diagonal terms cancel to 0)
    deg = jax.ops.segment_sum(jnp.ones_like(src, dtype=x.dtype), src, num_segments=n)
    dis = jnp.where(deg > 0, 1.0 / jnp.sqrt(jnp.maximum(deg, 1e-12)), 0.0)
    w = -dis[src] * dis[dst]
    msg = w[:, None] * x[src]
    return jax.ops.segment_sum(msg, dst, num_segments=n)


def _cheb_conv(x, src, dst, W0, W1, b):
    # K=2 Chebyshev: Tx_0 = x, Tx_1 = L_hat x
    tx1 = _cheb_prop(x, src, dst, x.shape[0])
    return x @ W0 + tx1 @ W1 + b


def reference(in_feat, edge_index, l1_W, l1_b, l2_W, l2_b,
              c1_W0, c1_W1, c1_b, c2_W0, c2_W1, c2_b,
              l3_W, l3_b, l4_W, l4_b):
    src = edge_index[0]
    dst = edge_index[1]
    h = jax.nn.relu(in_feat @ l1_W + l1_b)
    h = jax.nn.relu(h @ l2_W + l2_b)
    h = _cheb_conv(h, src, dst, c1_W0, c1_W1, c1_b)
    h = _cheb_conv(h, src, dst, c2_W0, c2_W1, c2_b)
    h = jax.nn.relu(h @ l3_W + l3_b)
    h = h @ l4_W + l4_b
    return h

if __name__ == "__main__":
    import jax
    _d = setup_inputs()
    print(jax.jit(kernel)(*tuple(_d.values())))

</pallas_src>

<mosaic_0001>
#map = affine_map<(d0, d1) -> (0, 0)>
#map1 = affine_map<(d0, d1) -> (0, 0, 0)>
module attributes {stable_mosaic.version = 14 : i64} {
  func.func @_prop_kernel(%arg0: i32, %arg1: i32, %arg2: memref<10000x128xf32, #tpu.memory_space<hbm>>, %arg3: memref<32x79x128xi32, #tpu.memory_space<hbm>>, %arg4: memref<32x79x128xi32, #tpu.memory_space<hbm>>, %arg5: memref<2x10000x128xf32, #tpu.memory_space<hbm>>, %arg6: memref<79x128xi32, #tpu.memory_space<vmem>>, %arg7: memref<79x128xi32, #tpu.memory_space<vmem>>, %arg8: memref<128x128xf32, #tpu.memory_space<vmem>>, %arg9: memref<10016x128xf32, #tpu.memory_space<vmem_shared>>, %arg10: memref<!tpu.dma_semaphore, #tpu.memory_space<semaphore_mem>>) attributes {dimension_semantics = [#tpu.dimension_semantics<core_parallel>, #tpu.dimension_semantics<subcore_parallel>], iteration_bounds = array<i64: 2, 16>, scalar_prefetch = 0 : i64, scratch_operands = 5 : i64, tpu.core_type = #tpu.core_type<sc_vector_subcore>, window_params = [{transform_indices = #map}, {transform_indices = #map1}, {transform_indices = #map1}, {transform_indices = #map1}]} {
    %mul3A = arith.constant 16 : i32
    %mul3A_0 = arith.muli %arg0, %mul3A : i32
    %add3A = arith.addi %mul3A_0, %arg1 : i32
    %scan3A = arith.constant 0 : i32
    %scan3A_1 = arith.constant 0 : i32
    %scan3A_2 = arith.constant 128 : i32
    %scan3A_3 = arith.addi %scan3A_1, %scan3A_2 : i32
    %scan3A_4 = arith.constant 1 : i32
    scf.for %scan3A_31 = %scan3A_1 to %scan3A_3 step %scan3A_4  : i32 {
      %broadcast_in_dim3A = arith.constant 0.000000e+00 : f32
      %broadcast_in_dim3A_32 = vector.broadcast %broadcast_in_dim3A : f32 to vector<16xf32>
      %swap3A = arith.index_cast %scan3A_31 : i32 to index
      %swap3A_33 = arith.constant 0 : index
      %swap3A_34 = tpu.vector_load %arg8[%swap3A, %swap3A_33] {strides = array<i32>} : memref<128x128xf32, #tpu.memory_space<vmem>>, vector<1x16xf32>,
      %swap3A_35 = vector.shape_cast %swap3A_34 : vector<1x16xf32> to vector<16xf32>
      %swap3A_36 = vector.shape_cast %broadcast_in_dim3A_32 : vector<16xf32> to vector<1x16xf32>
      tpu.vector_store %arg8[%swap3A, %swap3A_33], %swap3A_36 {strides = array<i32>} : memref<128x128xf32, #tpu.memory_space<vmem>>, vector<1x16xf32>,
      %broadcast_in_dim3A_37 = arith.constant 0.000000e+00 : f32
      %broadcast_in_dim3A_38 = vector.broadcast %broadcast_in_dim3A_37 : f32 to vector<16xf32>
      %swap3A_39 = arith.index_cast %scan3A_31 : i32 to index
      %swap3A_40 = arith.constant 16 : index
      %swap3A_41 = tpu.vector_load %arg8[%swap3A_39, %swap3A_40] {strides = array<i32>} : memref<128x128xf32, #tpu.memory_space<vmem>>, vector<1x16xf32>,
      %swap3A_42 = vector.shape_cast %swap3A_41 : vector<1x16xf32> to vector<16xf32>
      %swap3A_43 = vector.shape_cast %broadcast_in_dim3A_38 : vector<16xf32> to vector<1x16xf32>
      tpu.vector_store %arg8[%swap3A_39, %swap3A_40], %swap3A_43 {strides = array<i32>} : memref<128x128xf32, #tpu.memory_space<vmem>>, vector<1x16xf32>,
      %broadcast_in_dim3A_44 = arith.constant 0.000000e+00 : f32
      %broadcast_in_dim3A_45 = vector.broadcast %broadcast_in_dim3A_44 : f32 to vector<16xf32>
      %swap3A_46 = arith.index_cast %scan3A_31 : i32 to index
      %swap3A_47 = arith.constant 32 : index
      %swap3A_48 = tpu.vector_load %arg8[%swap3A_46, %swap3A_47] {strides = array<i32>} : memref<128x128xf32, #tpu.memory_space<vmem>>, vector<1x16xf32>,
      %swap3A_49 = vector.shape_cast %swap3A_48 : vector<1x16xf32> to vector<16xf32>
      %swap3A_50 = vector.shape_cast %broadcast_in_dim3A_45 : vector<16xf32> to vector<1x16xf32>
      tpu.vector_store %arg8[%swap3A_46, %swap3A_47], %swap3A_50 {strides = array<i32>} : memref<128x128xf32, #tpu.memory_space<vmem>>, vector<1x16xf32>,
      %broadcast_in_dim3A_51 = arith.constant 0.000000e+00 : f32
      %broadcast_in_dim3A_52 = vector.broadcast %broadcast_in_dim3A_51 : f32 to vector<16xf32>
      %swap3A_53 = arith.index_cast %scan3A_31 : i32 to index
      %swap3A_54 = arith.constant 48 : index
      %swap3A_55 = tpu.vector_load %arg8[%swap3A_53, %swap3A_54] {strides = array<i32>} : memref<128x128xf32, #tpu.memory_space<vmem>>, vector<1x16xf32>,
      %swap3A_56 = vector.shape_cast %swap3A_55 : vector<1x16xf32> to vector<16xf32>
      %swap3A_57 = vector.shape_cast %broadcast_in_dim3A_52 : vector<16xf32> to vector<1x16xf32>
      tpu.vector_store %arg8[%swap3A_53, %swap3A_54], %swap3A_57 {strides = array<i32>} : memref<128x128xf32, #tpu.memory_space<vmem>>, vector<1x16xf32>,
      %broadcast_in_dim3A_58 = arith.constant 0.000000e+00 : f32
      %broadcast_in_dim3A_59 = vector.broadcast %broadcast_in_dim3A_58 : f32 to vector<16xf32>
      %swap3A_60 = arith.index_cast %scan3A_31 : i32 to index
      %swap3A_61 = arith.constant 64 : index
      %swap3A_62 = tpu.vector_load %arg8[%swap3A_60, %swap3A_61] {strides = array<i32>} : memref<128x128xf32, #tpu.memory_space<vmem>>, vector<1x16xf32>,
      %swap3A_63 = vector.shape_cast %swap3A_62 : vector<1x16xf32> to vector<16xf32>
      %swap3A_64 = vector.shape_cast %broadcast_in_dim3A_59 : vector<16xf32> to vector<1x16xf32>
      tpu.vector_store %arg8[%swap3A_60, %swap3A_61], %swap3A_64 {strides = array<i32>} : memref<128x128xf32, #tpu.memory_space<vmem>>, vector<1x16xf32>,
      %broadcast_in_dim3A_65 = arith.constant 0.000000e+00 : f32
      %broadcast_in_dim3A_66 = vector.broadcast %broadcast_in_dim3A_65 : f32 to vector<16xf32>
      %swap3A_67 = arith.index_cast %scan3A_31 : i32 to index
      %swap3A_68 = arith.constant 80 : index
      %swap3A_69 = tpu.vector_load %arg8[%swap3A_67, %swap3A_68] {strides = array<i32>} : memref<128x128xf32, #tpu.memory_space<vmem>>, vector<1x16xf32>,
      %swap3A_70 = vector.shape_cast %swap3A_69 : vector<1x16xf32> to vector<16xf32>
      %swap3A_71 = vector.shape_cast %broadcast_in_dim3A_66 : vector<16xf32> to vector<1x16xf32>
      tpu.vector_store %arg8[%swap3A_67, %swap3A_68], %swap3A_71 {strides = array<i32>} : memref<128x128xf32, #tpu.memory_space<vmem>>, vector<1x16xf32>,
      %broadcast_in_dim3A_72 = arith.constant 0.000000e+00 : f32
      %broadcast_in_dim3A_73 = vector.broadcast %broadcast_in_dim3A_72 : f32 to vector<16xf32>
      %swap3A_74 = arith.index_cast %scan3A_31 : i32 to index
      %swap3A_75 = arith.constant 96 : index
      %swap3A_76 = tpu.vector_load %arg8[%swap3A_74, %swap3A_75] {strides = array<i32>} : memref<128x128xf32, #tpu.memory_space<vmem>>, vector<1x16xf32>,
      %swap3A_77 = vector.shape_cast %swap3A_76 : vector<1x16xf32> to vector<16xf32>
      %swap3A_78 = vector.shape_cast %broadcast_in_dim3A_73 : vector<16xf32> to vector<1x16xf32>
      tpu.vector_store %arg8[%swap3A_74, %swap3A_75], %swap3A_78 {strides = array<i32>} : memref<128x128xf32, #tpu.memory_space<vmem>>, vector<1x16xf32>,
      %broadcast_in_dim3A_79 = arith.constant 0.000000e+00 : f32
      %broadcast_in_dim3A_80 = vector.broadcast %broadcast_in_dim3A_79 : f32 to vector<16xf32>
      %swap3A_81 = arith.index_cast %scan3A_31 : i32 to index
      %swap3A_82 = arith.constant 112 : index
      %swap3A_83 = tpu.vector_load %arg8[%swap3A_81, %swap3A_82] {strides = array<i32>} : memref<128x128xf32, #tpu.memory_space<vmem>>, vector<1x16xf32>,
      %swap3A_84 = vector.shape_cast %swap3A_83 : vector<1x16xf32> to vector<16xf32>
      %swap3A_85 = vector.shape_cast %broadcast_in_dim3A_80 : vector<16xf32> to vector<1x16xf32>
      tpu.vector_store %arg8[%swap3A_81, %swap3A_82], %swap3A_85 {strides = array<i32>} : memref<128x128xf32, #tpu.memory_space<vmem>>, vector<1x16xf32>,
    }
    %scan3A_5 = arith.constant 128 : i32
    %mul3A_6 = arith.constant 626 : i32
    %mul3A_7 = arith.muli %arg1, %mul3A_6 : i32
    %add3A_8 = arith.constant 0 : i32
    %add3A_9 = arith.addi %mul3A_7, %add3A_8 : i32
    "tpu.region"() ({
      %run_scoped3A = tpu.sem_alloc : memref<!tpu.dma_semaphore, #tpu.memory_space<semaphore_mem>>
      %dma_start3A = arith.constant 0 : i32
      %dma_start3A_31 = tpu.memref_slice %arg9[%add3A_9, %dma_start3A] : memref<10016x128xf32, #tpu.memory_space<vmem_shared>> -> memref<128x128xf32, #tpu.memory_space<vmem_shared>>
      %dma_start3A_32 = arith.constant 0 : i32
      %dma_start3A_33 = tpu.memref_slice %arg9[%add3A_9, %dma_start3A_32] : memref<10016x128xf32, #tpu.memory_space<vmem_shared>> -> memref<128x128xf32, #tpu.memory_space<vmem_shared>>
      tpu.enqueue_dma source(%arg8 : memref<128x128xf32, #tpu.memory_space<vmem>>) target(%dma_start3A_33 : memref<128x128xf32, #tpu.memory_space<vmem_shared>>) target_semaphore(%run_scoped3A : memref<!tpu.dma_semaphore, #tpu.memory_space<semaphore_mem>>)
      %dma_wait3A = arith.constant 0 : i32
      %dma_wait3A_34 = tpu.memref_slice %arg9[%add3A_9, %dma_wait3A] : memref<10016x128xf32, #tpu.memory_space<vmem_shared>> -> memref<128x128xf32, #tpu.memory_space<vmem_shared>>
      %dma_wait3A_35 = arith.constant 0 : i32
      %dma_wait3A_36 = tpu.memref_slice %arg9[%add3A_9, %dma_wait3A_35] : memref<10016x128xf32, #tpu.memory_space<vmem_shared>> -> memref<128x128xf32, #tpu.memory_space<vmem_shared>>
      tpu.wait_dma2 semaphore(%run_scoped3A : memref<!tpu.dma_semaphore, #tpu.memory_space<semaphore_mem>>) src(%arg8 : memref<128x128xf32, #tpu.memory_space<vmem>>) dst(%dma_wait3A_36 : memref<128x128xf32, #tpu.memory_space<vmem_shared>>)
      tpu.yield
    }) : () -> ()
    %add3A_10 = arith.constant 128 : i32
    %add3A_11 = arith.addi %mul3A_7, %add3A_10 : i32
    "tpu.region"() ({
      %run_scoped3A = tpu.sem_alloc : memref<!tpu.dma_semaphore, #tpu.memory_space<semaphore_mem>>
      %dma_start3A = arith.constant 0 : i32
      %dma_start3A_31 = tpu.memref_slice %arg9[%add3A_11, %dma_start3A] : memref<10016x128xf32, #tpu.memory_space<vmem_shared>> -> memref<128x128xf32, #tpu.memory_space<vmem_shared>>
      %dma_start3A_32 = arith.constant 0 : i32
      %dma_start3A_33 = tpu.memref_slice %arg9[%add3A_11, %dma_start3A_32] : memref<10016x128xf32, #tpu.memory_space<vmem_shared>> -> memref<128x128xf32, #tpu.memory_space<vmem_shared>>
      tpu.enqueue_dma source(%arg8 : memref<128x128xf32, #tpu.memory_space<vmem>>) target(%dma_start3A_33 : memref<128x128xf32, #tpu.memory_space<vmem_shared>>) target_semaphore(%run_scoped3A : memref<!tpu.dma_semaphore, #tpu.memory_space<semaphore_mem>>)
      %dma_wait3A = arith.constant 0 : i32
      %dma_wait3A_34 = tpu.memref_slice %arg9[%add3A_11, %dma_wait3A] : memref<10016x128xf32, #tpu.memory_space<vmem_shared>> -> memref<128x128xf32, #tpu.memory_space<vmem_shared>>
      %dma_wait3A_35 = arith.constant 0 : i32
      %dma_wait3A_36 = tpu.memref_slice %arg9[%add3A_11, %dma_wait3A_35] : memref<10016x128xf32, #tpu.memory_space<vmem_shared>> -> memref<128x128xf32, #tpu.memory_space<vmem_shared>>
      tpu.wait_dma2 semaphore(%run_scoped3A : memref<!tpu.dma_semaphore, #tpu.memory_space<semaphore_mem>>) src(%arg8 : memref<128x128xf32, #tpu.memory_space<vmem>>) dst(%dma_wait3A_36 : memref<128x128xf32, #tpu.memory_space<vmem_shared>>)
      tpu.yield
    }) : () -> ()
    %add3A_12 = arith.constant 256 : i32
    %add3A_13 = arith.addi %mul3A_7, %add3A_12 : i32
    "tpu.region"() ({
      %run_scoped3A = tpu.sem_alloc : memref<!tpu.dma_semaphore, #tpu.memory_space<semaphore_mem>>
      %dma_start3A = arith.constant 0 : i32
      %dma_start3A_31 = tpu.memref_slice %arg9[%add3A_13, %dma_start3A] : memref<10016x128xf32, #tpu.memory_space<vmem_shared>> -> memref<128x128xf32, #tpu.memory_space<vmem_shared>>
      %dma_start3A_32 = arith.constant 0 : i32
      %dma_start3A_33 = tpu.memref_slice %arg9[%add3A_13, %dma_start3A_32] : memref<10016x128xf32, #tpu.memory_space<vmem_shared>> -> memref<128x128xf32, #tpu.memory_space<vmem_shared>>
      tpu.enqueue_dma source(%arg8 : memref<128x128xf32, #tpu.memory_space<vmem>>) target(%dma_start3A_33 : memref<128x128xf32, #tpu.memory_space<vmem_shared>>) target_semaphore(%run_scoped3A : memref<!tpu.dma_semaphore, #tpu.memory_space<semaphore_mem>>)
      %dma_wait3A = arith.constant 0 : i32
      %dma_wait3A_34 = tpu.memref_slice %arg9[%add3A_13, %dma_wait3A] : memref<10016x128xf32, #tpu.memory_space<vmem_shared>> -> memref<128x128xf32, #tpu.memory_space<vmem_shared>>
      %dma_wait3A_35 = arith.constant 0 : i32
      %dma_wait3A_36 = tpu.memref_slice %arg9[%add3A_13, %dma_wait3A_35] : memref<10016x128xf32, #tpu.memory_space<vmem_shared>> -> memref<128x128xf32, #tpu.memory_space<vmem_shared>>
      tpu.wait_dma2 semaphore(%run_scoped3A : memref<!tpu.dma_semaphore, #tpu.memory_space<semaphore_mem>>) src(%arg8 : memref<128x128xf32, #tpu.memory_space<vmem>>) dst(%dma_wait3A_36 : memref<128x128xf32, #tpu.memory_space<vmem_shared>>)
      tpu.yield
    }) : () -> ()
    %add3A_14 = arith.constant 384 : i32
    %add3A_15 = arith.addi %mul3A_7, %add3A_14 : i32
    "tpu.region"() ({
      %run_scoped3A = tpu.sem_alloc : memref<!tpu.dma_semaphore, #tpu.memory_space<semaphore_mem>>
      %dma_start3A = arith.constant 0 : i32
      %dma_start3A_31 = tpu.memref_slice %arg9[%add3A_15, %dma_start3A] : memref<10016x128xf32, #tpu.memory_space<vmem_shared>> -> memref<128x128xf32, #tpu.memory_space<vmem_shared>>
      %dma_start3A_32 = arith.constant 0 : i32
      %dma_start3A_33 = tpu.memref_slice %arg9[%add3A_15, %dma_start3A_32] : memref<10016x128xf32, #tpu.memory_space<vmem_shared>> -> memref<128x128xf32, #tpu.memory_space<vmem_shared>>
      tpu.enqueue_dma source(%arg8 : memref<128x128xf32, #tpu.memory_space<vmem>>) target(%dma_start3A_33 : memref<128x128xf32, #tpu.memory_space<vmem_shared>>) target_semaphore(%run_scoped3A : memref<!tpu.dma_semaphore, #tpu.memory_space<semaphore_mem>>)
      %dma_wait3A = arith.constant 0 : i32
      %dma_wait3A_34 = tpu.memref_slice %arg9[%add3A_15, %dma_wait3A] : memref<10016x128xf32, #tpu.memory_space<vmem_shared>> -> memref<128x128xf32, #tpu.memory_space<vmem_shared>>
      %dma_wait3A_35 = arith.constant 0 : i32
      %dma_wait3A_36 = tpu.memref_slice %arg9[%add3A_15, %dma_wait3A_35] : memref<10016x128xf32, #tpu.memory_space<vmem_shared>> -> memref<128x128xf32, #tpu.memory_space<vmem_shared>>
      tpu.wait_dma2 semaphore(%run_scoped3A : memref<!tpu.dma_semaphore, #tpu.memory_space<semaphore_mem>>) src(%arg8 : memref<128x128xf32, #tpu.memory_space<vmem>>) dst(%dma_wait3A_36 : memref<128x128xf32, #tpu.memory_space<vmem_shared>>)
      tpu.yield
    }) : () -> ()
    %add3A_16 = arith.constant 512 : i32
    %add3A_17 = arith.addi %mul3A_7, %add3A_16 : i32
    "tpu.region"() ({
      %run_scoped3A = tpu.sem_alloc : memref<!tpu.dma_semaphore, #tpu.memory_space<semaphore_mem>>
      %dma_start3A = arith.constant 0 : i32
      %dma_start3A_31 = arith.constant 0 : i32
      %dma_start3A_32 = tpu.memref_slice %arg8[%dma_start3A, %dma_start3A_31] : memref<128x128xf32, #tpu.memory_space<vmem>> -> memref<114x128xf32, #tpu.memory_space<vmem>>
      %dma_start3A_33 = arith.constant 0 : i32
      %dma_start3A_34 = tpu.memref_slice %arg9[%add3A_17, %dma_start3A_33] : memref<10016x128xf32, #tpu.memory_space<vmem_shared>> -> memref<114x128xf32, #tpu.memory_space<vmem_shared>>
      %dma_start3A_35 = arith.constant 0 : i32
      %dma_start3A_36 = tpu.memref_slice %arg9[%add3A_17, %dma_start3A_35] : memref<10016x128xf32, #tpu.memory_space<vmem_shared>> -> memref<114x128xf32, #tpu.memory_space<vmem_shared>>
      %dma_start3A_37 = arith.constant 0 : i32
      %dma_start3A_38 = arith.constant 0 : i32
      %dma_start3A_39 = tpu.memref_slice %arg8[%dma_start3A_37, %dma_start3A_38] : memref<128x128xf32, #tpu.memory_space<vmem>> -> memref<114x128xf32, #tpu.memory_space<vmem>>
      tpu.enqueue_dma source(%dma_start3A_39 : memref<114x128xf32, #tpu.memory_space<vmem>>) target(%dma_start3A_36 : memref<114x128xf32, #tpu.memory_space<vmem_shared>>) target_semaphore(%run_scoped3A : memref<!tpu.dma_semaphore, #tpu.memory_space<semaphore_mem>>)
      %dma_wait3A = arith.constant 0 : i32
      %dma_wait3A_40 = arith.constant 0 : i32
      %dma_wait3A_41 = tpu.memref_slice %arg8[%dma_wait3A, %dma_wait3A_40] : memref<128x128xf32, #tpu.memory_space<vmem>> -> memref<114x128xf32, #tpu.memory_space<vmem>>
      %dma_wait3A_42 = arith.constant 0 : i32
      %dma_wait3A_43 = tpu.memref_slice %arg9[%add3A_17, %dma_wait3A_42] : memref<10016x128xf32, #tpu.memory_space<vmem_shared>> -> memref<114x128xf32, #tpu.memory_space<vmem_shared>>
      %dma_wait3A_44 = arith.constant 0 : i32
      %dma_wait3A_45 = tpu.memref_slice %arg9[%add3A_17, %dma_wait3A_44] : memref<10016x128xf32, #tpu.memory_space<vmem_shared>> -> memref<114x128xf32, #tpu.memory_space<vmem_shared>>
      %dma_wait3A_46 = arith.constant 0 : i32
      %dma_wait3A_47 = arith.constant 0 : i32
      %dma_wait3A_48 = tpu.memref_slice %arg8[%dma_wait3A_46, %dma_wait3A_47] : memref<128x128xf32, #tpu.memory_space<vmem>> -> memref<114x128xf32, #tpu.memory_space<vmem>>
      tpu.wait_dma2 semaphore(%run_scoped3A : memref<!tpu.dma_semaphore, #tpu.memory_space<semaphore_mem>>) src(%dma_wait3A_48 : memref<114x128xf32, #tpu.memory_space<vmem>>) dst(%dma_wait3A_45 : memref<114x128xf32, #tpu.memory_space<vmem_shared>>)
      tpu.yield
    }) : () -> ()
    %barrier3A = arith.constant 0 : index
    tpu.barrier barrier_id(%barrier3A)
    "tpu.region"() ({
      %run_scoped3A = tpu.sem_alloc : memref<!tpu.dma_semaphore, #tpu.memory_space<semaphore_mem>>
      %dma_start3A = arith.constant 0 : i32
      %dma_start3A_31 = arith.constant 0 : i32
      %dma_start3A_32 = tpu.memref_slice %arg3[%add3A, %dma_start3A, %dma_start3A_31] : memref<32x79x128xi32, #tpu.memory_space<hbm>> -> memref<1x79x128xi32, #tpu.memory_space<hbm>>
      %dma_start3A_33 = tpu.memref_squeeze %dma_start3A_32 : memref<1x79x128xi32, #tpu.memory_space<hbm>> -> memref<79x128xi32, #tpu.memory_space<hbm>>
      %dma_start3A_34 = arith.constant 0 : i32
      %dma_start3A_35 = arith.constant 0 : i32
      %dma_start3A_36 = tpu.memref_slice %arg3[%add3A, %dma_start3A_34, %dma_start3A_35] : memref<32x79x128xi32, #tpu.memory_space<hbm>> -> memref<1x79x128xi32, #tpu.memory_space<hbm>>
      %dma_start3A_37 = tpu.memref_squeeze %dma_start3A_36 : memref<1x79x128xi32, #tpu.memory_space<hbm>> -> memref<79x128xi32, #tpu.memory_space<hbm>>
      tpu.enqueue_dma source(%dma_start3A_37 : memref<79x128xi32, #tpu.memory_space<hbm>>) target(%arg6 : memref<79x128xi32, #tpu.memory_space<vmem>>) target_semaphore(%run_scoped3A : memref<!tpu.dma_semaphore, #tpu.memory_space<semaphore_mem>>)
      %dma_wait3A = arith.constant 0 : i32
      %dma_wait3A_38 = arith.constant 0 : i32
      %dma_wait3A_39 = tpu.memref_slice %arg3[%add3A, %dma_wait3A, %dma_wait3A_38] : memref<32x79x128xi32, #tpu.memory_space<hbm>> -> memref<1x79x128xi32, #tpu.memory_space<hbm>>
      %dma_wait3A_40 = tpu.memref_squeeze %dma_wait3A_39 : memref<1x79x128xi32, #tpu.memory_space<hbm>> -> memref<79x128xi32, #tpu.memory_space<hbm>>
      %dma_wait3A_41 = arith.constant 0 : i32
      %dma_wait3A_42 = arith.constant 0 : i32
      %dma_wait3A_43 = tpu.memref_slice %arg3[%add3A, %dma_wait3A_41, %dma_wait3A_42] : memref<32x79x128xi32, #tpu.memory_space<hbm>> -> memref<1x79x128xi32, #tpu.memory_space<hbm>>
      %dma_wait3A_44 = tpu.memref_squeeze %dma_wait3A_43 : memref<1x79x128xi32, #tpu.memory_space<hbm>> -> memref<79x128xi32, #tpu.memory_space<hbm>>
      tpu.wait_dma2 semaphore(%run_scoped3A : memref<!tpu.dma_semaphore, #tpu.memory_space<semaphore_mem>>) src(%dma_wait3A_44 : memref<79x128xi32, #tpu.memory_space<hbm>>) dst(%arg6 : memref<79x128xi32, #tpu.memory_space<vmem>>)
      tpu.yield
    }) : () -> ()
    "tpu.region"() ({
      %run_scoped3A = tpu.sem_alloc : memref<!tpu.dma_semaphore, #tpu.memory_space<semaphore_mem>>
      %dma_start3A = arith.constant 0 : i32
      %dma_start3A_31 = arith.constant 0 : i32
      %dma_start3A_32 = tpu.memref_slice %arg4[%add3A, %dma_start3A, %dma_start3A_31] : memref<32x79x128xi32, #tpu.memory_space<hbm>> -> memref<1x79x128xi32, #tpu.memory_space<hbm>>
      %dma_start3A_33 = tpu.memref_squeeze %dma_start3A_32 : memref<1x79x128xi32, #tpu.memory_space<hbm>> -> memref<79x128xi32, #tpu.memory_space<hbm>>
      %dma_start3A_34 = arith.constant 0 : i32
      %dma_start3A_35 = arith.constant 0 : i32
      %dma_start3A_36 = tpu.memref_slice %arg4[%add3A, %dma_start3A_34, %dma_start3A_35] : memref<32x79x128xi32, #tpu.memory_space<hbm>> -> memref<1x79x128xi32, #tpu.memory_space<hbm>>
      %dma_start3A_37 = tpu.memref_squeeze %dma_start3A_36 : memref<1x79x128xi32, #tpu.memory_space<hbm>> -> memref<79x128xi32, #tpu.memory_space<hbm>>
      tpu.enqueue_dma source(%dma_start3A_37 : memref<79x128xi32, #tpu.memory_space<hbm>>) target(%arg7 : memref<79x128xi32, #tpu.memory_space<vmem>>) target_semaphore(%run_scoped3A : memref<!tpu.dma_semaphore, #tpu.memory_space<semaphore_mem>>)
      %dma_wait3A = arith.constant 0 : i32
      %dma_wait3A_38 = arith.constant 0 : i32
      %dma_wait3A_39 = tpu.memref_slice %arg4[%add3A, %dma_wait3A, %dma_wait3A_38] : memref<32x79x128xi32, #tpu.memory_space<hbm>> -> memref<1x79x128xi32, #tpu.memory_space<hbm>>
      %dma_wait3A_40 = tpu.memref_squeeze %dma_wait3A_39 : memref<1x79x128xi32, #tpu.memory_space<hbm>> -> memref<79x128xi32, #tpu.memory_space<hbm>>
      %dma_wait3A_41 = arith.constant 0 : i32
      %dma_wait3A_42 = arith.constant 0 : i32
      %dma_wait3A_43 = tpu.memref_slice %arg4[%add3A, %dma_wait3A_41, %dma_wait3A_42] : memref<32x79x128xi32, #tpu.memory_space<hbm>> -> memref<1x79x128xi32, #tpu.memory_space<hbm>>
      %dma_wait3A_44 = tpu.memref_squeeze %dma_wait3A_43 : memref<1x79x128xi32, #tpu.memory_space<hbm>> -> memref<79x128xi32, #tpu.memory_space<hbm>>
      tpu.wait_dma2 semaphore(%run_scoped3A : memref<!tpu.dma_semaphore, #tpu.memory_space<semaphore_mem>>) src(%dma_wait3A_44 : memref<79x128xi32, #tpu.memory_space<hbm>>) dst(%arg7 : memref<79x128xi32, #tpu.memory_space<vmem>>)
      tpu.yield
    }) : () -> ()
    %scan3A_18 = arith.constant 0 : i32
    %scan3A_19 = arith.constant 0 : i32
    %scan3A_20 = arith.constant 79 : i32
    %scan3A_21 = arith.addi %scan3A_19, %scan3A_20 : i32
    %scan3A_22 = arith.constant 1 : i32
    scf.for %scan3A_31 = %scan3A_19 to %scan3A_21 step %scan3A_22  : i32 {
      %dma_start3A = arith.constant 0 : i32
      %dma_start3A_32 = tpu.memref_slice %arg6[%scan3A_31, %dma_start3A] : memref<79x128xi32, #tpu.memory_space<vmem>> -> memref<1x128xi32, #tpu.memory_space<vmem>>
      %dma_start3A_33 = tpu.memref_squeeze %dma_start3A_32 : memref<1x128xi32, #tpu.memory_space<vmem>> -> memref<128xi32, #tpu.memory_space<vmem>>
      %dma_start3A_34 = arith.constant 0 : i32
      %dma_start3A_35 = arith.constant 0 : i32
      %dma_start3A_36 = tpu.memref_slice %arg2[%dma_start3A_34, %dma_start3A_35] : memref<10000x128xf32, #tpu.memory_space<hbm>> -> memref<10000x128xf32, #tpu.memory_space<hbm>>
      tpu.enqueue_indirect_dma source(%dma_start3A_36 : memref<10000x128xf32, #tpu.memory_space<hbm>>) target(%arg8 : memref<128x128xf32, #tpu.memory_space<vmem>>) offsets(%dma_start3A_33 : memref<128xi32, #tpu.memory_space<vmem>>) semaphore(%arg10 : memref<!tpu.dma_semaphore, #tpu.memory_space<semaphore_mem>>)
      %dma_wait3A = arith.constant 0 : i32
      %dma_wait3A_37 = tpu.memref_slice %arg6[%scan3A_31, %dma_wait3A] : memref<79x128xi32, #tpu.memory_space<vmem>> -> memref<1x128xi32, #tpu.memory_space<vmem>>
      %dma_wait3A_38 = tpu.memref_squeeze %dma_wait3A_37 : memref<1x128xi32, #tpu.memory_space<vmem>> -> memref<128xi32, #tpu.memory_space<vmem>>
      %dma_wait3A_39 = arith.constant 0 : i32
      %dma_wait3A_40 = arith.constant 0 : i32
      %dma_wait3A_41 = tpu.memref_slice %arg2[%dma_wait3A_39, %dma_wait3A_40] : memref<10000x128xf32, #tpu.memory_space<hbm>> -> memref<10000x128xf32, #tpu.memory_space<hbm>>
      tpu.wait_indirect_dma semaphore(%arg10 : memref<!tpu.dma_semaphore, #tpu.memory_space<semaphore_mem>>) src(%dma_wait3A_41 : memref<10000x128xf32, #tpu.memory_space<hbm>>) dst(%arg8 : memref<128x128xf32, #tpu.memory_space<vmem>>)
      "tpu.region"() ({
        %run_scoped3A = tpu.sem_alloc : memref<!tpu.dma_semaphore, #tpu.memory_space<semaphore_mem>>
        %dma_start3A_42 = arith.constant 0 : i32
        %dma_start3A_43 = tpu.memref_slice %arg7[%scan3A_31, %dma_start3A_42] : memref<79x128xi32, #tpu.memory_space<vmem>> -> memref<1x128xi32, #tpu.memory_space<vmem>>
        %dma_start3A_44 = tpu.memref_squeeze %dma_start3A_43 : memref<1x128xi32, #tpu.memory_space<vmem>> -> memref<128xi32, #tpu.memory_space<vmem>>
        %dma_start3A_45 = arith.constant 0 : i32
        %dma_start3A_46 = arith.constant 0 : i32
        %dma_start3A_47 = tpu.memref_slice %arg9[%dma_start3A_45, %dma_start3A_46] : memref<10016x128xf32, #tpu.memory_space<vmem_shared>> -> memref<10016x128xf32, #tpu.memory_space<vmem_shared>>
        tpu.enqueue_indirect_dma source(%arg8 : memref<128x128xf32, #tpu.memory_space<vmem>>) target(%dma_start3A_47 : memref<10016x128xf32, #tpu.memory_space<vmem_shared>>) offsets(%dma_start3A_44 : memref<128xi32, #tpu.memory_space<vmem>>) semaphore(%run_scoped3A : memref<!tpu.dma_semaphore, #tpu.memory_space<semaphore_mem>>) {add = true}
        %dma_wait3A_48 = arith.constant 0 : i32
        %dma_wait3A_49 = tpu.memref_slice %arg7[%scan3A_31, %dma_wait3A_48] : memref<79x128xi32, #tpu.memory_space<vmem>> -> memref<1x128xi32, #tpu.memory_space<vmem>>
        %dma_wait3A_50 = tpu.memref_squeeze %dma_wait3A_49 : memref<1x128xi32, #tpu.memory_space<vmem>> -> memref<128xi32, #tpu.memory_space<vmem>>
        %dma_wait3A_51 = arith.constant 0 : i32
        %dma_wait3A_52 = arith.constant 0 : i32
        %dma_wait3A_53 = tpu.memref_slice %arg9[%dma_wait3A_51, %dma_wait3A_52] : memref<10016x128xf32, #tpu.memory_space<vmem_shared>> -> memref<10016x128xf32, #tpu.memory_space<vmem_shared>>
        tpu.wait_indirect_dma semaphore(%run_scoped3A : memref<!tpu.dma_semaphore, #tpu.memory_space<semaphore_mem>>) src(%arg8 : memref<128x128xf32, #tpu.memory_space<vmem>>) dst(%dma_wait3A_53 : memref<10016x128xf32, #tpu.memory_space<vmem_shared>>)
        tpu.yield
      }) : () -> ()
    }
    %scan3A_23 = arith.constant 79 : i32
    %barrier3A_24 = arith.constant 0 : index
    tpu.barrier barrier_id(%barrier3A_24)
    %mul3A_25 = arith.constant 624 : i32
    %mul3A_26 = arith.muli %arg1, %mul3A_25 : i32
    %mul3A_27 = arith.constant 624 : i32
    %mul3A_28 = arith.muli %arg1, %mul3A_27 : i32
    "tpu.region"() ({
      %run_scoped3A = tpu.sem_alloc : memref<!tpu.dma_semaphore, #tpu.memory_space<semaphore_mem>>
      %dma_start3A = arith.constant 0 : i32
      %dma_start3A_31 = tpu.memref_slice %arg5[%arg0, %mul3A_28, %dma_start3A] : memref<2x10000x128xf32, #tpu.memory_space<hbm>> -> memref<1x624x128xf32, #tpu.memory_space<hbm>>
      %dma_start3A_32 = tpu.memref_squeeze %dma_start3A_31 : memref<1x624x128xf32, #tpu.memory_space<hbm>> -> memref<624x128xf32, #tpu.memory_space<hbm>>
      %dma_start3A_33 = arith.constant 0 : i32
      %dma_start3A_34 = tpu.memref_slice %arg9[%mul3A_26, %dma_start3A_33] : memref<10016x128xf32, #tpu.memory_space<vmem_shared>> -> memref<624x128xf32, #tpu.memory_space<vmem_shared>>
      tpu.enqueue_dma source(%dma_start3A_34 : memref<624x128xf32, #tpu.memory_space<vmem_shared>>) target(%dma_start3A_32 : memref<624x128xf32, #tpu.memory_space<hbm>>) target_semaphore(%run_scoped3A : memref<!tpu.dma_semaphore, #tpu.memory_space<semaphore_mem>>)
      %dma_wait3A = arith.constant 0 : i32
      %dma_wait3A_35 = tpu.memref_slice %arg5[%arg0, %mul3A_28, %dma_wait3A] : memref<2x10000x128xf32, #tpu.memory_space<hbm>> -> memref<1x624x128xf32, #tpu.memory_space<hbm>>
      %dma_wait3A_36 = tpu.memref_squeeze %dma_wait3A_35 : memref<1x624x128xf32, #tpu.memory_space<hbm>> -> memref<624x128xf32, #tpu.memory_space<hbm>>
      %dma_wait3A_37 = arith.constant 0 : i32
      %dma_wait3A_38 = tpu.memref_slice %arg9[%mul3A_26, %dma_wait3A_37] : memref<10016x128xf32, #tpu.memory_space<vmem_shared>> -> memref<624x128xf32, #tpu.memory_space<vmem_shared>>
      tpu.wait_dma2 semaphore(%run_scoped3A : memref<!tpu.dma_semaphore, #tpu.memory_space<semaphore_mem>>) src(%dma_wait3A_38 : memref<624x128xf32, #tpu.memory_space<vmem_shared>>) dst(%dma_wait3A_36 : memref<624x128xf32, #tpu.memory_space<hbm>>)
      tpu.yield
    }) : () -> ()
    %eq3A = arith.constant 0 : i32
    %eq3A_29 = arith.cmpi eq, %arg1, %eq3A : i32
    %convert_element_type3A = arith.extui %eq3A_29 : i1 to i32
    %cond3A = arith.constant 0 : i32
    %cond3A_30 = arith.cmpi ne, %convert_element_type3A, %cond3A : i32
    scf.if %cond3A_30 {
      "tpu.region"() ({
        %run_scoped3A = tpu.sem_alloc : memref<!tpu.dma_semaphore, #tpu.memory_space<semaphore_mem>>
        %dma_start3A = arith.constant 9984 : i32
        %dma_start3A_31 = arith.constant 0 : i32
        %dma_start3A_32 = tpu.memref_slice %arg5[%arg0, %dma_start3A, %dma_start3A_31] : memref<2x10000x128xf32, #tpu.memory_space<hbm>> -> memref<1x16x128xf32, #tpu.memory_space<hbm>>
        %dma_start3A_33 = tpu.memref_squeeze %dma_start3A_32 : memref<1x16x128xf32, #tpu.memory_space<hbm>> -> memref<16x128xf32, #tpu.memory_space<hbm>>
        %dma_start3A_34 = arith.constant 9984 : i32
        %dma_start3A_35 = arith.constant 0 : i32
        %dma_start3A_36 = tpu.memref_slice %arg9[%dma_start3A_34, %dma_start3A_35] : memref<10016x128xf32, #tpu.memory_space<vmem_shared>> -> memref<16x128xf32, #tpu.memory_space<vmem_shared>>
        tpu.enqueue_dma source(%dma_start3A_36 : memref<16x128xf32, #tpu.memory_space<vmem_shared>>) target(%dma_start3A_33 : memref<16x128xf32, #tpu.memory_space<hbm>>) target_semaphore(%run_scoped3A : memref<!tpu.dma_semaphore, #tpu.memory_space<semaphore_mem>>)
        %dma_wait3A = arith.constant 9984 : i32
        %dma_wait3A_37 = arith.constant 0 : i32
        %dma_wait3A_38 = tpu.memref_slice %arg5[%arg0, %dma_wait3A, %dma_wait3A_37] : memref<2x10000x128xf32, #tpu.memory_space<hbm>> -> memref<1x16x128xf32, #tpu.memory_space<hbm>>
        %dma_wait3A_39 = tpu.memref_squeeze %dma_wait3A_38 : memref<1x16x128xf32, #tpu.memory_space<hbm>> -> memref<16x128xf32, #tpu.memory_space<hbm>>
        %dma_wait3A_40 = arith.constant 9984 : i32
        %dma_wait3A_41 = arith.constant 0 : i32
        %dma_wait3A_42 = tpu.memref_slice %arg9[%dma_wait3A_40, %dma_wait3A_41] : memref<10016x128xf32, #tpu.memory_space<vmem_shared>> -> memref<16x128xf32, #tpu.memory_space<vmem_shared>>
        tpu.wait_dma2 semaphore(%run_scoped3A : memref<!tpu.dma_semaphore, #tpu.memory_space<semaphore_mem>>) src(%dma_wait3A_42 : memref<16x128xf32, #tpu.memory_space<vmem_shared>>) dst(%dma_wait3A_39 : memref<16x128xf32, #tpu.memory_space<hbm>>)
        tpu.yield
      }) : () -> ()
    } else {
    }
    return
  }
}

#map = affine_map<(d0, d1) -> (0, 0)>
#map1 = affine_map<(d0, d1) -> (0, 0, 0)>
module attributes {stable_mosaic.version = 14 : i64} {
  func.func @_prop_kernel(%arg0: i32, %arg1: i32, %arg2: memref<10000x128xf32, #tpu.memory_space<hbm>>, %arg3: memref<32x79x128xi32, #tpu.memory_space<hbm>>, %arg4: memref<32x79x128xi32, #tpu.memory_space<hbm>>, %arg5: memref<2x10000x128xf32, #tpu.memory_space<hbm>>, %arg6: memref<79x128xi32, #tpu.memory_space<vmem>>, %arg7: memref<79x128xi32, #tpu.memory_space<vmem>>, %arg8: memref<128x128xf32, #tpu.memory_space<vmem>>, %arg9: memref<10016x128xf32, #tpu.memory_space<vmem_shared>>, %arg10: memref<!tpu.dma_semaphore, #tpu.memory_space<semaphore_mem>>) attributes {dimension_semantics = [#tpu.dimension_semantics<core_parallel>, #tpu.dimension_semantics<subcore_parallel>], iteration_bounds = array<i64: 2, 16>, scalar_prefetch = 0 : i64, scratch_operands = 5 : i64, tpu.core_type = #tpu.core_type<sc_vector_subcore>, window_params = [{transform_indices = #map}, {transform_indices = #map1}, {transform_indices = #map1}, {transform_indices = #map1}]} {
    %mul3A = arith.constant 16 : i32
    %mul3A_0 = arith.muli %arg0, %mul3A : i32
    %add3A = arith.addi %mul3A_0, %arg1 : i32
    %scan3A = arith.constant 0 : i32
    %scan3A_1 = arith.constant 0 : i32
    %scan3A_2 = arith.constant 128 : i32
    %scan3A_3 = arith.addi %scan3A_1, %scan3A_2 : i32
    %scan3A_4 = arith.constant 1 : i32
    scf.for %scan3A_31 = %scan3A_1 to %scan3A_3 step %scan3A_4  : i32 {
      %broadcast_in_dim3A = arith.constant 0.000000e+00 : f32
      %broadcast_in_dim3A_32 = vector.broadcast %broadcast_in_dim3A : f32 to vector<16xf32>
      %swap3A = arith.index_cast %scan3A_31 : i32 to index
      %swap3A_33 = arith.constant 0 : index
      %swap3A_34 = tpu.vector_load %arg8[%swap3A, %swap3A_33] {strides = array<i32>} : memref<128x128xf32, #tpu.memory_space<vmem>>, vector<1x16xf32>,
      %swap3A_35 = vector.shape_cast %swap3A_34 : vector<1x16xf32> to vector<16xf32>
      %swap3A_36 = vector.shape_cast %broadcast_in_dim3A_32 : vector<16xf32> to vector<1x16xf32>
      tpu.vector_store %arg8[%swap3A, %swap3A_33], %swap3A_36 {strides = array<i32>} : memref<128x128xf32, #tpu.memory_space<vmem>>, vector<1x16xf32>,
      %broadcast_in_dim3A_37 = arith.constant 0.000000e+00 : f32
      %broadcast_in_dim3A_38 = vector.broadcast %broadcast_in_dim3A_37 : f32 to vector<16xf32>
      %swap3A_39 = arith.index_cast %scan3A_31 : i32 to index
      %swap3A_40 = arith.constant 16 : index
      %swap3A_41 = tpu.vector_load %arg8[%swap3A_39, %swap3A_40] {strides = array<i32>} : memref<128x128xf32, #tpu.memory_space<vmem>>, vector<1x16xf32>,
      %swap3A_42 = vector.shape_cast %swap3A_41 : vector<1x16xf32> to vector<16xf32>
      %swap3A_43 = vector.shape_cast %broadcast_in_dim3A_38 : vector<16xf32> to vector<1x16xf32>
      tpu.vector_store %arg8[%swap3A_39, %swap3A_40], %swap3A_43 {strides = array<i32>} : memref<128x128xf32, #tpu.memory_space<vmem>>, vector<1x16xf32>,
      %broadcast_in_dim3A_44 = arith.constant 0.000000e+00 : f32
      %broadcast_in_dim3A_45 = vector.broadcast %broadcast_in_dim3A_44 : f32 to vector<16xf32>
      %swap3A_46 = arith.index_cast %scan3A_31 : i32 to index
      %swap3A_47 = arith.constant 32 : index
      %swap3A_48 = tpu.vector_load %arg8[%swap3A_46, %swap3A_47] {strides = array<i32>} : memref<128x128xf32, #tpu.memory_space<vmem>>, vector<1x16xf32>,
      %swap3A_49 = vector.shape_cast %swap3A_48 : vector<1x16xf32> to vector<16xf32>
      %swap3A_50 = vector.shape_cast %broadcast_in_dim3A_45 : vector<16xf32> to vector<1x16xf32>
      tpu.vector_store %arg8[%swap3A_46, %swap3A_47], %swap3A_50 {strides = array<i32>} : memref<128x128xf32, #tpu.memory_space<vmem>>, vector<1x16xf32>,
      %broadcast_in_dim3A_51 = arith.constant 0.000000e+00 : f32
      %broadcast_in_dim3A_52 = vector.broadcast %broadcast_in_dim3A_51 : f32 to vector<16xf32>
      %swap3A_53 = arith.index_cast %scan3A_31 : i32 to index
      %swap3A_54 = arith.constant 48 : index
      %swap3A_55 = tpu.vector_load %arg8[%swap3A_53, %swap3A_54] {strides = array<i32>} : memref<128x128xf32, #tpu.memory_space<vmem>>, vector<1x16xf32>,
      %swap3A_56 = vector.shape_cast %swap3A_55 : vector<1x16xf32> to vector<16xf32>
      %swap3A_57 = vector.shape_cast %broadcast_in_dim3A_52 : vector<16xf32> to vector<1x16xf32>
      tpu.vector_store %arg8[%swap3A_53, %swap3A_54], %swap3A_57 {strides = array<i32>} : memref<128x128xf32, #tpu.memory_space<vmem>>, vector<1x16xf32>,
      %broadcast_in_dim3A_58 = arith.constant 0.000000e+00 : f32
      %broadcast_in_dim3A_59 = vector.broadcast %broadcast_in_dim3A_58 : f32 to vector<16xf32>
      %swap3A_60 = arith.index_cast %scan3A_31 : i32 to index
      %swap3A_61 = arith.constant 64 : index
      %swap3A_62 = tpu.vector_load %arg8[%swap3A_60, %swap3A_61] {strides = array<i32>} : memref<128x128xf32, #tpu.memory_space<vmem>>, vector<1x16xf32>,
      %swap3A_63 = vector.shape_cast %swap3A_62 : vector<1x16xf32> to vector<16xf32>
      %swap3A_64 = vector.shape_cast %broadcast_in_dim3A_59 : vector<16xf32> to vector<1x16xf32>
      tpu.vector_store %arg8[%swap3A_60, %swap3A_61], %swap3A_64 {strides = array<i32>} : memref<128x128xf32, #tpu.memory_space<vmem>>, vector<1x16xf32>,
      %broadcast_in_dim3A_65 = arith.constant 0.000000e+00 : f32
      %broadcast_in_dim3A_66 = vector.broadcast %broadcast_in_dim3A_65 : f32 to vector<16xf32>
      %swap3A_67 = arith.index_cast %scan3A_31 : i32 to index
      %swap3A_68 = arith.constant 80 : index
      %swap3A_69 = tpu.vector_load %arg8[%swap3A_67, %swap3A_68] {strides = array<i32>} : memref<128x128xf32, #tpu.memory_space<vmem>>, vector<1x16xf32>,
      %swap3A_70 = vector.shape_cast %swap3A_69 : vector<1x16xf32> to vector<16xf32>
      %swap3A_71 = vector.shape_cast %broadcast_in_dim3A_66 : vector<16xf32> to vector<1x16xf32>
      tpu.vector_store %arg8[%swap3A_67, %swap3A_68], %swap3A_71 {strides = array<i32>} : memref<128x128xf32, #tpu.memory_space<vmem>>, vector<1x16xf32>,
      %broadcast_in_dim3A_72 = arith.constant 0.000000e+00 : f32
      %broadcast_in_dim3A_73 = vector.broadcast %broadcast_in_dim3A_72 : f32 to vector<16xf32>
      %swap3A_74 = arith.index_cast %scan3A_31 : i32 to index
      %swap3A_75 = arith.constant 96 : index
      %swap3A_76 = tpu.vector_load %arg8[%swap3A_74, %swap3A_75] {strides = array<i32>} : memref<128x128xf32, #tpu.memory_space<vmem>>, vector<1x16xf32>,
      %swap3A_77 = vector.shape_cast %swap3A_76 : vector<1x16xf32> to vector<16xf32>
      %swap3A_78 = vector.shape_cast %broadcast_in_dim3A_73 : vector<16xf32> to vector<1x16xf32>
      tpu.vector_store %arg8[%swap3A_74, %swap3A_75], %swap3A_78 {strides = array<i32>} : memref<128x128xf32, #tpu.memory_space<vmem>>, vector<1x16xf32>,
      %broadcast_in_dim3A_79 = arith.constant 0.000000e+00 : f32
      %broadcast_in_dim3A_80 = vector.broadcast %broadcast_in_dim3A_79 : f32 to vector<16xf32>
      %swap3A_81 = arith.index_cast %scan3A_31 : i32 to index
      %swap3A_82 = arith.constant 112 : index
      %swap3A_83 = tpu.vector_load %arg8[%swap3A_81, %swap3A_82] {strides = array<i32>} : memref<128x128xf32, #tpu.memory_space<vmem>>, vector<1x16xf32>,
      %swap3A_84 = vector.shape_cast %swap3A_83 : vector<1x16xf32> to vector<16xf32>
      %swap3A_85 = vector.shape_cast %broadcast_in_dim3A_80 : vector<16xf32> to vector<1x16xf32>
      tpu.vector_store %arg8[%swap3A_81, %swap3A_82], %swap3A_85 {strides = array<i32>} : memref<128x128xf32, #tpu.memory_space<vmem>>, vector<1x16xf32>,
    }
    %scan3A_5 = arith.constant 128 : i32
    %mul3A_6 = arith.constant 626 : i32
    %mul3A_7 = arith.muli %arg1, %mul3A_6 : i32
    %add3A_8 = arith.constant 0 : i32
    %add3A_9 = arith.addi %mul3A_7, %add3A_8 : i32
    "tpu.region"() ({
      %run_scoped3A = tpu.sem_alloc : memref<!tpu.dma_semaphore, #tpu.memory_space<semaphore_mem>>
      %dma_start3A = arith.constant 0 : i32
      %dma_start3A_31 = tpu.memref_slice %arg9[%add3A_9, %dma_start3A] : memref<10016x128xf32, #tpu.memory_space<vmem_shared>> -> memref<128x128xf32, #tpu.memory_space<vmem_shared>>
      %dma_start3A_32 = arith.constant 0 : i32
      %dma_start3A_33 = tpu.memref_slice %arg9[%add3A_9, %dma_start3A_32] : memref<10016x128xf32, #tpu.memory_space<vmem_shared>> -> memref<128x128xf32, #tpu.memory_space<vmem_shared>>
      tpu.enqueue_dma source(%arg8 : memref<128x128xf32, #tpu.memory_space<vmem>>) target(%dma_start3A_33 : memref<128x128xf32, #tpu.memory_space<vmem_shared>>) target_semaphore(%run_scoped3A : memref<!tpu.dma_semaphore, #tpu.memory_space<semaphore_mem>>)
      %dma_wait3A = arith.constant 0 : i32
      %dma_wait3A_34 = tpu.memref_slice %arg9[%add3A_9, %dma_wait3A] : memref<10016x128xf32, #tpu.memory_space<vmem_shared>> -> memref<128x128xf32, #tpu.memory_space<vmem_shared>>
      %dma_wait3A_35 = arith.constant 0 : i32
      %dma_wait3A_36 = tpu.memref_slice %arg9[%add3A_9, %dma_wait3A_35] : memref<10016x128xf32, #tpu.memory_space<vmem_shared>> -> memref<128x128xf32, #tpu.memory_space<vmem_shared>>
      tpu.wait_dma2 semaphore(%run_scoped3A : memref<!tpu.dma_semaphore, #tpu.memory_space<semaphore_mem>>) src(%arg8 : memref<128x128xf32, #tpu.memory_space<vmem>>) dst(%dma_wait3A_36 : memref<128x128xf32, #tpu.memory_space<vmem_shared>>)
      tpu.yield
    }) : () -> ()
    %add3A_10 = arith.constant 128 : i32
    %add3A_11 = arith.addi %mul3A_7, %add3A_10 : i32
    "tpu.region"() ({
      %run_scoped3A = tpu.sem_alloc : memref<!tpu.dma_semaphore, #tpu.memory_space<semaphore_mem>>
      %dma_start3A = arith.constant 0 : i32
      %dma_start3A_31 = tpu.memref_slice %arg9[%add3A_11, %dma_start3A] : memref<10016x128xf32, #tpu.memory_space<vmem_shared>> -> memref<128x128xf32, #tpu.memory_space<vmem_shared>>
      %dma_start3A_32 = arith.constant 0 : i32
      %dma_start3A_33 = tpu.memref_slice %arg9[%add3A_11, %dma_start3A_32] : memref<10016x128xf32, #tpu.memory_space<vmem_shared>> -> memref<128x128xf32, #tpu.memory_space<vmem_shared>>
      tpu.enqueue_dma source(%arg8 : memref<128x128xf32, #tpu.memory_space<vmem>>) target(%dma_start3A_33 : memref<128x128xf32, #tpu.memory_space<vmem_shared>>) target_semaphore(%run_scoped3A : memref<!tpu.dma_semaphore, #tpu.memory_space<semaphore_mem>>)
      %dma_wait3A = arith.constant 0 : i32
      %dma_wait3A_34 = tpu.memref_slice %arg9[%add3A_11, %dma_wait3A] : memref<10016x128xf32, #tpu.memory_space<vmem_shared>> -> memref<128x128xf32, #tpu.memory_space<vmem_shared>>
      %dma_wait3A_35 = arith.constant 0 : i32
      %dma_wait3A_36 = tpu.memref_slice %arg9[%add3A_11, %dma_wait3A_35] : memref<10016x128xf32, #tpu.memory_space<vmem_shared>> -> memref<128x128xf32, #tpu.memory_space<vmem_shared>>
      tpu.wait_dma2 semaphore(%run_scoped3A : memref<!tpu.dma_semaphore, #tpu.memory_space<semaphore_mem>>) src(%arg8 : memref<128x128xf32, #tpu.memory_space<vmem>>) dst(%dma_wait3A_36 : memref<128x128xf32, #tpu.memory_space<vmem_shared>>)
      tpu.yield
    }) : () -> ()
    %add3A_12 = arith.constant 256 : i32
    %add3A_13 = arith.addi %mul3A_7, %add3A_12 : i32
    "tpu.region"() ({
      %run_scoped3A = tpu.sem_alloc : memref<!tpu.dma_semaphore, #tpu.memory_space<semaphore_mem>>
      %dma_start3A = arith.constant 0 : i32
      %dma_start3A_31 = tpu.memref_slice %arg9[%add3A_13, %dma_start3A] : memref<10016x128xf32, #tpu.memory_space<vmem_shared>> -> memref<128x128xf32, #tpu.memory_space<vmem_shared>>
      %dma_start3A_32 = arith.constant 0 : i32
      %dma_start3A_33 = tpu.memref_slice %arg9[%add3A_13, %dma_start3A_32] : memref<10016x128xf32, #tpu.memory_space<vmem_shared>> -> memref<128x128xf32, #tpu.memory_space<vmem_shared>>
      tpu.enqueue_dma source(%arg8 : memref<128x128xf32, #tpu.memory_space<vmem>>) target(%dma_start3A_33 : memref<128x128xf32, #tpu.memory_space<vmem_shared>>) target_semaphore(%run_scoped3A : memref<!tpu.dma_semaphore, #tpu.memory_space<semaphore_mem>>)
      %dma_wait3A = arith.constant 0 : i32
      %dma_wait3A_34 = tpu.memref_slice %arg9[%add3A_13, %dma_wait3A] : memref<10016x128xf32, #tpu.memory_space<vmem_shared>> -> memref<128x128xf32, #tpu.memory_space<vmem_shared>>
      %dma_wait3A_35 = arith.constant 0 : i32
      %dma_wait3A_36 = tpu.memref_slice %arg9[%add3A_13, %dma_wait3A_35] : memref<10016x128xf32, #tpu.memory_space<vmem_shared>> -> memref<128x128xf32, #tpu.memory_space<vmem_shared>>
      tpu.wait_dma2 semaphore(%run_scoped3A : memref<!tpu.dma_semaphore, #tpu.memory_space<semaphore_mem>>) src(%arg8 : memref<128x128xf32, #tpu.memory_space<vmem>>) dst(%dma_wait3A_36 : memref<128x128xf32, #tpu.memory_space<vmem_shared>>)
      tpu.yield
    }) : () -> ()
    %add3A_14 = arith.constant 384 : i32
    %add3A_15 = arith.addi %mul3A_7, %add3A_14 : i32
    "tpu.region"() ({
      %run_scoped3A = tpu.sem_alloc : memref<!tpu.dma_semaphore, #tpu.memory_space<semaphore_mem>>
      %dma_start3A = arith.constant 0 : i32
      %dma_start3A_31 = tpu.memref_slice %arg9[%add3A_15, %dma_start3A] : memref<10016x128xf32, #tpu.memory_space<vmem_shared>> -> memref<128x128xf32, #tpu.memory_space<vmem_shared>>
      %dma_start3A_32 = arith.constant 0 : i32
      %dma_start3A_33 = tpu.memref_slice %arg9[%add3A_15, %dma_start3A_32] : memref<10016x128xf32, #tpu.memory_space<vmem_shared>> -> memref<128x128xf32, #tpu.memory_space<vmem_shared>>
      tpu.enqueue_dma source(%arg8 : memref<128x128xf32, #tpu.memory_space<vmem>>) target(%dma_start3A_33 : memref<128x128xf32, #tpu.memory_space<vmem_shared>>) target_semaphore(%run_scoped3A : memref<!tpu.dma_semaphore, #tpu.memory_space<semaphore_mem>>)
      %dma_wait3A = arith.constant 0 : i32
      %dma_wait3A_34 = tpu.memref_slice %arg9[%add3A_15, %dma_wait3A] : memref<10016x128xf32, #tpu.memory_space<vmem_shared>> -> memref<128x128xf32, #tpu.memory_space<vmem_shared>>
      %dma_wait3A_35 = arith.constant 0 : i32
      %dma_wait3A_36 = tpu.memref_slice %arg9[%add3A_15, %dma_wait3A_35] : memref<10016x128xf32, #tpu.memory_space<vmem_shared>> -> memref<128x128xf32, #tpu.memory_space<vmem_shared>>
      tpu.wait_dma2 semaphore(%run_scoped3A : memref<!tpu.dma_semaphore, #tpu.memory_space<semaphore_mem>>) src(%arg8 : memref<128x128xf32, #tpu.memory_space<vmem>>) dst(%dma_wait3A_36 : memref<128x128xf32, #tpu.memory_space<vmem_shared>>)
      tpu.yield
    }) : () -> ()
    %add3A_16 = arith.constant 512 : i32
    %add3A_17 = arith.addi %mul3A_7, %add3A_16 : i32
    "tpu.region"() ({
      %run_scoped3A = tpu.sem_alloc : memref<!tpu.dma_semaphore, #tpu.memory_space<semaphore_mem>>
      %dma_start3A = arith.constant 0 : i32
      %dma_start3A_31 = arith.constant 0 : i32
      %dma_start3A_32 = tpu.memref_slice %arg8[%dma_start3A, %dma_start3A_31] : memref<128x128xf32, #tpu.memory_space<vmem>> -> memref<114x128xf32, #tpu.memory_space<vmem>>
      %dma_start3A_33 = arith.constant 0 : i32
      %dma_start3A_34 = tpu.memref_slice %arg9[%add3A_17, %dma_start3A_33] : memref<10016x128xf32, #tpu.memory_space<vmem_shared>> -> memref<114x128xf32, #tpu.memory_space<vmem_shared>>
      %dma_start3A_35 = arith.constant 0 : i32
      %dma_start3A_36 = tpu.memref_slice %arg9[%add3A_17, %dma_start3A_35] : memref<10016x128xf32, #tpu.memory_space<vmem_shared>> -> memref<114x128xf32, #tpu.memory_space<vmem_shared>>
      %dma_start3A_37 = arith.constant 0 : i32
      %dma_start3A_38 = arith.constant 0 : i32
      %dma_start3A_39 = tpu.memref_slice %arg8[%dma_start3A_37, %dma_start3A_38] : memref<128x128xf32, #tpu.memory_space<vmem>> -> memref<114x128xf32, #tpu.memory_space<vmem>>
      tpu.enqueue_dma source(%dma_start3A_39 : memref<114x128xf32, #tpu.memory_space<vmem>>) target(%dma_start3A_36 : memref<114x128xf32, #tpu.memory_space<vmem_shared>>) target_semaphore(%run_scoped3A : memref<!tpu.dma_semaphore, #tpu.memory_space<semaphore_mem>>)
      %dma_wait3A = arith.constant 0 : i32
      %dma_wait3A_40 = arith.constant 0 : i32
      %dma_wait3A_41 = tpu.memref_slice %arg8[%dma_wait3A, %dma_wait3A_40] : memref<128x128xf32, #tpu.memory_space<vmem>> -> memref<114x128xf32, #tpu.memory_space<vmem>>
      %dma_wait3A_42 = arith.constant 0 : i32
      %dma_wait3A_43 = tpu.memref_slice %arg9[%add3A_17, %dma_wait3A_42] : memref<10016x128xf32, #tpu.memory_space<vmem_shared>> -> memref<114x128xf32, #tpu.memory_space<vmem_shared>>
      %dma_wait3A_44 = arith.constant 0 : i32
      %dma_wait3A_45 = tpu.memref_slice %arg9[%add3A_17, %dma_wait3A_44] : memref<10016x128xf32, #tpu.memory_space<vmem_shared>> -> memref<114x128xf32, #tpu.memory_space<vmem_shared>>
      %dma_wait3A_46 = arith.constant 0 : i32
      %dma_wait3A_47 = arith.constant 0 : i32
      %dma_wait3A_48 = tpu.memref_slice %arg8[%dma_wait3A_46, %dma_wait3A_47] : memref<128x128xf32, #tpu.memory_space<vmem>> -> memref<114x128xf32, #tpu.memory_space<vmem>>
      tpu.wait_dma2 semaphore(%run_scoped3A : memref<!tpu.dma_semaphore, #tpu.memory_space<semaphore_mem>>) src(%dma_wait3A_48 : memref<114x128xf32, #tpu.memory_space<vmem>>) dst(%dma_wait3A_45 : memref<114x128xf32, #tpu.memory_space<vmem_shared>>)
      tpu.yield
    }) : () -> ()
    %barrier3A = arith.constant 0 : index
    tpu.barrier barrier_id(%barrier3A)
    "tpu.region"() ({
      %run_scoped3A = tpu.sem_alloc : memref<!tpu.dma_semaphore, #tpu.memory_space<semaphore_mem>>
      %dma_start3A = arith.constant 0 : i32
      %dma_start3A_31 = arith.constant 0 : i32
      %dma_start3A_32 = tpu.memref_slice %arg3[%add3A, %dma_start3A, %dma_start3A_31] : memref<32x79x128xi32, #tpu.memory_space<hbm>> -> memref<1x79x128xi32, #tpu.memory_space<hbm>>
      %dma_start3A_33 = tpu.memref_squeeze %dma_start3A_32 : memref<1x79x128xi32, #tpu.memory_space<hbm>> -> memref<79x128xi32, #tpu.memory_space<hbm>>
      %dma_start3A_34 = arith.constant 0 : i32
      %dma_start3A_35 = arith.constant 0 : i32
      %dma_start3A_36 = tpu.memref_slice %arg3[%add3A, %dma_start3A_34, %dma_start3A_35] : memref<32x79x128xi32, #tpu.memory_space<hbm>> -> memref<1x79x128xi32, #tpu.memory_space<hbm>>
      %dma_start3A_37 = tpu.memref_squeeze %dma_start3A_36 : memref<1x79x128xi32, #tpu.memory_space<hbm>> -> memref<79x128xi32, #tpu.memory_space<hbm>>
      tpu.enqueue_dma source(%dma_start3A_37 : memref<79x128xi32, #tpu.memory_space<hbm>>) target(%arg6 : memref<79x128xi32, #tpu.memory_space<vmem>>) target_semaphore(%run_scoped3A : memref<!tpu.dma_semaphore, #tpu.memory_space<semaphore_mem>>)
      %dma_wait3A = arith.constant 0 : i32
      %dma_wait3A_38 = arith.constant 0 : i32
      %dma_wait3A_39 = tpu.memref_slice %arg3[%add3A, %dma_wait3A, %dma_wait3A_38] : memref<32x79x128xi32, #tpu.memory_space<hbm>> -> memref<1x79x128xi32, #tpu.memory_space<hbm>>
      %dma_wait3A_40 = tpu.memref_squeeze %dma_wait3A_39 : memref<1x79x128xi32, #tpu.memory_space<hbm>> -> memref<79x128xi32, #tpu.memory_space<hbm>>
      %dma_wait3A_41 = arith.constant 0 : i32
      %dma_wait3A_42 = arith.constant 0 : i32
      %dma_wait3A_43 = tpu.memref_slice %arg3[%add3A, %dma_wait3A_41, %dma_wait3A_42] : memref<32x79x128xi32, #tpu.memory_space<hbm>> -> memref<1x79x128xi32, #tpu.memory_space<hbm>>
      %dma_wait3A_44 = tpu.memref_squeeze %dma_wait3A_43 : memref<1x79x128xi32, #tpu.memory_space<hbm>> -> memref<79x128xi32, #tpu.memory_space<hbm>>
      tpu.wait_dma2 semaphore(%run_scoped3A : memref<!tpu.dma_semaphore, #tpu.memory_space<semaphore_mem>>) src(%dma_wait3A_44 : memref<79x128xi32, #tpu.memory_space<hbm>>) dst(%arg6 : memref<79x128xi32, #tpu.memory_space<vmem>>)
      tpu.yield
    }) : () -> ()
    "tpu.region"() ({
      %run_scoped3A = tpu.sem_alloc : memref<!tpu.dma_semaphore, #tpu.memory_space<semaphore_mem>>
      %dma_start3A = arith.constant 0 : i32
      %dma_start3A_31 = arith.constant 0 : i32
      %dma_start3A_32 = tpu.memref_slice %arg4[%add3A, %dma_start3A, %dma_start3A_31] : memref<32x79x128xi32, #tpu.memory_space<hbm>> -> memref<1x79x128xi32, #tpu.memory_space<hbm>>
      %dma_start3A_33 = tpu.memref_squeeze %dma_start3A_32 : memref<1x79x128xi32, #tpu.memory_space<hbm>> -> memref<79x128xi32, #tpu.memory_space<hbm>>
      %dma_start3A_34 = arith.constant 0 : i32
      %dma_start3A_35 = arith.constant 0 : i32
      %dma_start3A_36 = tpu.memref_slice %arg4[%add3A, %dma_start3A_34, %dma_start3A_35] : memref<32x79x128xi32, #tpu.memory_space<hbm>> -> memref<1x79x128xi32, #tpu.memory_space<hbm>>
      %dma_start3A_37 = tpu.memref_squeeze %dma_start3A_36 : memref<1x79x128xi32, #tpu.memory_space<hbm>> -> memref<79x128xi32, #tpu.memory_space<hbm>>
      tpu.enqueue_dma source(%dma_start3A_37 : memref<79x128xi32, #tpu.memory_space<hbm>>) target(%arg7 : memref<79x128xi32, #tpu.memory_space<vmem>>) target_semaphore(%run_scoped3A : memref<!tpu.dma_semaphore, #tpu.memory_space<semaphore_mem>>)
      %dma_wait3A = arith.constant 0 : i32
      %dma_wait3A_38 = arith.constant 0 : i32
      %dma_wait3A_39 = tpu.memref_slice %arg4[%add3A, %dma_wait3A, %dma_wait3A_38] : memref<32x79x128xi32, #tpu.memory_space<hbm>> -> memref<1x79x128xi32, #tpu.memory_space<hbm>>
      %dma_wait3A_40 = tpu.memref_squeeze %dma_wait3A_39 : memref<1x79x128xi32, #tpu.memory_space<hbm>> -> memref<79x128xi32, #tpu.memory_space<hbm>>
      %dma_wait3A_41 = arith.constant 0 : i32
      %dma_wait3A_42 = arith.constant 0 : i32
      %dma_wait3A_43 = tpu.memref_slice %arg4[%add3A, %dma_wait3A_41, %dma_wait3A_42] : memref<32x79x128xi32, #tpu.memory_space<hbm>> -> memref<1x79x128xi32, #tpu.memory_space<hbm>>
      %dma_wait3A_44 = tpu.memref_squeeze %dma_wait3A_43 : memref<1x79x128xi32, #tpu.memory_space<hbm>> -> memref<79x128xi32, #tpu.memory_space<hbm>>
      tpu.wait_dma2 semaphore(%run_scoped3A : memref<!tpu.dma_semaphore, #tpu.memory_space<semaphore_mem>>) src(%dma_wait3A_44 : memref<79x128xi32, #tpu.memory_space<hbm>>) dst(%arg7 : memref<79x128xi32, #tpu.memory_space<vmem>>)
      tpu.yield
    }) : () -> ()
    %scan3A_18 = arith.constant 0 : i32
    %scan3A_19 = arith.constant 0 : i32
    %scan3A_20 = arith.constant 79 : i32
    %scan3A_21 = arith.addi %scan3A_19, %scan3A_20 : i32
    %scan3A_22 = arith.constant 1 : i32
    scf.for %scan3A_31 = %scan3A_19 to %scan3A_21 step %scan3A_22  : i32 {
      %dma_start3A = arith.constant 0 : i32
      %dma_start3A_32 = tpu.memref_slice %arg6[%scan3A_31, %dma_start3A] : memref<79x128xi32, #tpu.memory_space<vmem>> -> memref<1x128xi32, #tpu.memory_space<vmem>>
      %dma_start3A_33 = tpu.memref_squeeze %dma_start3A_32 : memref<1x128xi32, #tpu.memory_space<vmem>> -> memref<128xi32, #tpu.memory_space<vmem>>
      %dma_start3A_34 = arith.constant 0 : i32
      %dma_start3A_35 = arith.constant 0 : i32
      %dma_start3A_36 = tpu.memref_slice %arg2[%dma_start3A_34, %dma_start3A_35] : memref<10000x128xf32, #tpu.memory_space<hbm>> -> memref<10000x128xf32, #tpu.memory_space<hbm>>
      tpu.enqueue_indirect_dma source(%dma_start3A_36 : memref<10000x128xf32, #tpu.memory_space<hbm>>) target(%arg8 : memref<128x128xf32, #tpu.memory_space<vmem>>) offsets(%dma_start3A_33 : memref<128xi32, #tpu.memory_space<vmem>>) semaphore(%arg10 : memref<!tpu.dma_semaphore, #tpu.memory_space<semaphore_mem>>)
      %dma_wait3A = arith.constant 0 : i32
      %dma_wait3A_37 = tpu.memref_slice %arg6[%scan3A_31, %dma_wait3A] : memref<79x128xi32, #tpu.memory_space<vmem>> -> memref<1x128xi32, #tpu.memory_space<vmem>>
      %dma_wait3A_38 = tpu.memref_squeeze %dma_wait3A_37 : memref<1x128xi32, #tpu.memory_space<vmem>> -> memref<128xi32, #tpu.memory_space<vmem>>
      %dma_wait3A_39 = arith.constant 0 : i32
      %dma_wait3A_40 = arith.constant 0 : i32
      %dma_wait3A_41 = tpu.memref_slice %arg2[%dma_wait3A_39, %dma_wait3A_40] : memref<10000x128xf32, #tpu.memory_space<hbm>> -> memref<10000x128xf32, #tpu.memory_space<hbm>>
      tpu.wait_indirect_dma semaphore(%arg10 : memref<!tpu.dma_semaphore, #tpu.memory_space<semaphore_mem>>) src(%dma_wait3A_41 : memref<10000x128xf32, #tpu.memory_space<hbm>>) dst(%arg8 : memref<128x128xf32, #tpu.memory_space<vmem>>)
      "tpu.region"() ({
        %run_scoped3A = tpu.sem_alloc : memref<!tpu.dma_semaphore, #tpu.memory_space<semaphore_mem>>
        %dma_start3A_42 = arith.constant 0 : i32
        %dma_start3A_43 = tpu.memref_slice %arg7[%scan3A_31, %dma_start3A_42] : memref<79x128xi32, #tpu.memory_space<vmem>> -> memref<1x128xi32, #tpu.memory_space<vmem>>
        %dma_start3A_44 = tpu.memref_squeeze %dma_start3A_43 : memref<1x128xi32, #tpu.memory_space<vmem>> -> memref<128xi32, #tpu.memory_space<vmem>>
        %dma_start3A_45 = arith.constant 0 : i32
        %dma_start3A_46 = arith.constant 0 : i32
        %dma_start3A_47 = tpu.memref_slice %arg9[%dma_start3A_45, %dma_start3A_46] : memref<10016x128xf32, #tpu.memory_space<vmem_shared>> -> memref<10016x128xf32, #tpu.memory_space<vmem_shared>>
        tpu.enqueue_indirect_dma source(%arg8 : memref<128x128xf32, #tpu.memory_space<vmem>>) target(%dma_start3A_47 : memref<10016x128xf32, #tpu.memory_space<vmem_shared>>) offsets(%dma_start3A_44 : memref<128xi32, #tpu.memory_space<vmem>>) semaphore(%run_scoped3A : memref<!tpu.dma_semaphore, #tpu.memory_space<semaphore_mem>>) {add = true}
        %dma_wait3A_48 = arith.constant 0 : i32
        %dma_wait3A_49 = tpu.memref_slice %arg7[%scan3A_31, %dma_wait3A_48] : memref<79x128xi32, #tpu.memory_space<vmem>> -> memref<1x128xi32, #tpu.memory_space<vmem>>
        %dma_wait3A_50 = tpu.memref_squeeze %dma_wait3A_49 : memref<1x128xi32, #tpu.memory_space<vmem>> -> memref<128xi32, #tpu.memory_space<vmem>>
        %dma_wait3A_51 = arith.constant 0 : i32
        %dma_wait3A_52 = arith.constant 0 : i32
        %dma_wait3A_53 = tpu.memref_slice %arg9[%dma_wait3A_51, %dma_wait3A_52] : memref<10016x128xf32, #tpu.memory_space<vmem_shared>> -> memref<10016x128xf32, #tpu.memory_space<vmem_shared>>
        tpu.wait_indirect_dma semaphore(%run_scoped3A : memref<!tpu.dma_semaphore, #tpu.memory_space<semaphore_mem>>) src(%arg8 : memref<128x128xf32, #tpu.memory_space<vmem>>) dst(%dma_wait3A_53 : memref<10016x128xf32, #tpu.memory_space<vmem_shared>>)
        tpu.yield
      }) : () -> ()
    }
    %scan3A_23 = arith.constant 79 : i32
    %barrier3A_24 = arith.constant 0 : index
    tpu.barrier barrier_id(%barrier3A_24)
    %mul3A_25 = arith.constant 624 : i32
    %mul3A_26 = arith.muli %arg1, %mul3A_25 : i32
    %mul3A_27 = arith.constant 624 : i32
    %mul3A_28 = arith.muli %arg1, %mul3A_27 : i32
    "tpu.region"() ({
      %run_scoped3A = tpu.sem_alloc : memref<!tpu.dma_semaphore, #tpu.memory_space<semaphore_mem>>
      %dma_start3A = arith.constant 0 : i32
      %dma_start3A_31 = tpu.memref_slice %arg5[%arg0, %mul3A_28, %dma_start3A] : memref<2x10000x128xf32, #tpu.memory_space<hbm>> -> memref<1x624x128xf32, #tpu.memory_space<hbm>>
      %dma_start3A_32 = tpu.memref_squeeze %dma_start3A_31 : memref<1x624x128xf32, #tpu.memory_space<hbm>> -> memref<624x128xf32, #tpu.memory_space<hbm>>
      %dma_start3A_33 = arith.constant 0 : i32
      %dma_start3A_34 = tpu.memref_slice %arg9[%mul3A_26, %dma_start3A_33] : memref<10016x128xf32, #tpu.memory_space<vmem_shared>> -> memref<624x128xf32, #tpu.memory_space<vmem_shared>>
      tpu.enqueue_dma source(%dma_start3A_34 : memref<624x128xf32, #tpu.memory_space<vmem_shared>>) target(%dma_start3A_32 : memref<624x128xf32, #tpu.memory_space<hbm>>) target_semaphore(%run_scoped3A : memref<!tpu.dma_semaphore, #tpu.memory_space<semaphore_mem>>)
      %dma_wait3A = arith.constant 0 : i32
      %dma_wait3A_35 = tpu.memref_slice %arg5[%arg0, %mul3A_28, %dma_wait3A] : memref<2x10000x128xf32, #tpu.memory_space<hbm>> -> memref<1x624x128xf32, #tpu.memory_space<hbm>>
      %dma_wait3A_36 = tpu.memref_squeeze %dma_wait3A_35 : memref<1x624x128xf32, #tpu.memory_space<hbm>> -> memref<624x128xf32, #tpu.memory_space<hbm>>
      %dma_wait3A_37 = arith.constant 0 : i32
      %dma_wait3A_38 = tpu.memref_slice %arg9[%mul3A_26, %dma_wait3A_37] : memref<10016x128xf32, #tpu.memory_space<vmem_shared>> -> memref<624x128xf32, #tpu.memory_space<vmem_shared>>
      tpu.wait_dma2 semaphore(%run_scoped3A : memref<!tpu.dma_semaphore, #tpu.memory_space<semaphore_mem>>) src(%dma_wait3A_38 : memref<624x128xf32, #tpu.memory_space<vmem_shared>>) dst(%dma_wait3A_36 : memref<624x128xf32, #tpu.memory_space<hbm>>)
      tpu.yield
    }) : () -> ()
    %eq3A = arith.constant 0 : i32
    %eq3A_29 = arith.cmpi eq, %arg1, %eq3A : i32
    %convert_element_type3A = arith.extui %eq3A_29 : i1 to i32
    %cond3A = arith.constant 0 : i32
    %cond3A_30 = arith.cmpi ne, %convert_element_type3A, %cond3A : i32
    scf.if %cond3A_30 {
      "tpu.region"() ({
        %run_scoped3A = tpu.sem_alloc : memref<!tpu.dma_semaphore, #tpu.memory_space<semaphore_mem>>
        %dma_start3A = arith.constant 9984 : i32
        %dma_start3A_31 = arith.constant 0 : i32
        %dma_start3A_32 = tpu.memref_slice %arg5[%arg0, %dma_start3A, %dma_start3A_31] : memref<2x10000x128xf32, #tpu.memory_space<hbm>> -> memref<1x16x128xf32, #tpu.memory_space<hbm>>
        %dma_start3A_33 = tpu.memref_squeeze %dma_start3A_32 : memref<1x16x128xf32, #tpu.memory_space<hbm>> -> memref<16x128xf32, #tpu.memory_space<hbm>>
        %dma_start3A_34 = arith.constant 9984 : i32
        %dma_start3A_35 = arith.constant 0 : i32
        %dma_start3A_36 = tpu.memref_slice %arg9[%dma_start3A_34, %dma_start3A_35] : memref<10016x128xf32, #tpu.memory_space<vmem_shared>> -> memref<16x128xf32, #tpu.memory_space<vmem_shared>>
        tpu.enqueue_dma source(%dma_start3A_36 : memref<16x128xf32, #tpu.memory_space<vmem_shared>>) target(%dma_start3A_33 : memref<16x128xf32, #tpu.memory_space<hbm>>) target_semaphore(%run_scoped3A : memref<!tpu.dma_semaphore, #tpu.memory_space<semaphore_mem>>)
        %dma_wait3A = arith.constant 9984 : i32
        %dma_wait3A_37 = arith.constant 0 : i32
        %dma_wait3A_38 = tpu.memref_slice %arg5[%arg0, %dma_wait3A, %dma_wait3A_37] : memref<2x10000x128xf32, #tpu.memory_space<hbm>> -> memref<1x16x128xf32, #tpu.memory_space<hbm>>
        %dma_wait3A_39 = tpu.memref_squeeze %dma_wait3A_38 : memref<1x16x128xf32, #tpu.memory_space<hbm>> -> memref<16x128xf32, #tpu.memory_space<hbm>>
        %dma_wait3A_40 = arith.constant 9984 : i32
        %dma_wait3A_41 = arith.constant 0 : i32
        %dma_wait3A_42 = tpu.memref_slice %arg9[%dma_wait3A_40, %dma_wait3A_41] : memref<10016x128xf32, #tpu.memory_space<vmem_shared>> -> memref<16x128xf32, #tpu.memory_space<vmem_shared>>
        tpu.wait_dma2 semaphore(%run_scoped3A : memref<!tpu.dma_semaphore, #tpu.memory_space<semaphore_mem>>) src(%dma_wait3A_42 : memref<16x128xf32, #tpu.memory_space<vmem_shared>>) dst(%dma_wait3A_39 : memref<16x128xf32, #tpu.memory_space<hbm>>)
        tpu.yield
      }) : () -> ()
    } else {
    }
    return
  }
}

#map = affine_map<(d0, d1) -> (0, 0, 0)>
module attributes {stable_mosaic.version = 14 : i64} {
  func.func @_deg_kernel(%arg0: i32, %arg1: i32, %arg2: memref<32x79x128xi32, #tpu.memory_space<hbm>>, %arg3: memref<2x10000x128xf32, #tpu.memory_space<hbm>>, %arg4: memref<79x128xi32, #tpu.memory_space<vmem>>, %arg5: memref<128x128xf32, #tpu.memory_space<vmem>>, %arg6: memref<10016x128xf32, #tpu.memory_space<vmem_shared>>) attributes {dimension_semantics = [#tpu.dimension_semantics<core_parallel>, #tpu.dimension_semantics<subcore_parallel>], iteration_bounds = array<i64: 2, 16>, scalar_prefetch = 0 : i64, scratch_operands = 3 : i64, tpu.core_type = #tpu.core_type<sc_vector_subcore>, window_params = [{transform_indices = #map}, {transform_indices = #map}]} {
    %mul3A = arith.constant 16 : i32
    %mul3A_0 = arith.muli %arg0, %mul3A : i32
    %add3A = arith.addi %mul3A_0, %arg1 : i32
    %scan3A = arith.constant 0 : i32
    %scan3A_1 = arith.constant 0 : i32
    %scan3A_2 = arith.constant 128 : i32
    %scan3A_3 = arith.addi %scan3A_1, %scan3A_2 : i32
    %scan3A_4 = arith.constant 1 : i32
    scf.for %scan3A_37 = %scan3A_1 to %scan3A_3 step %scan3A_4  : i32 {
      %broadcast_in_dim3A = arith.constant 0.000000e+00 : f32
      %broadcast_in_dim3A_38 = vector.broadcast %broadcast_in_dim3A : f32 to vector<16xf32>
      %swap3A = arith.index_cast %scan3A_37 : i32 to index
      %swap3A_39 = arith.constant 0 : index
      %swap3A_40 = tpu.vector_load %arg5[%swap3A, %swap3A_39] {strides = array<i32>} : memref<128x128xf32, #tpu.memory_space<vmem>>, vector<1x16xf32>,
      %swap3A_41 = vector.shape_cast %swap3A_40 : vector<1x16xf32> to vector<16xf32>
      %swap3A_42 = vector.shape_cast %broadcast_in_dim3A_38 : vector<16xf32> to vector<1x16xf32>
      tpu.vector_store %arg5[%swap3A, %swap3A_39], %swap3A_42 {strides = array<i32>} : memref<128x128xf32, #tpu.memory_space<vmem>>, vector<1x16xf32>,
      %broadcast_in_dim3A_43 = arith.constant 0.000000e+00 : f32
      %broadcast_in_dim3A_44 = vector.broadcast %broadcast_in_dim3A_43 : f32 to vector<16xf32>
      %swap3A_45 = arith.index_cast %scan3A_37 : i32 to index
      %swap3A_46 = arith.constant 16 : index
      %swap3A_47 = tpu.vector_load %arg5[%swap3A_45, %swap3A_46] {strides = array<i32>} : memref<128x128xf32, #tpu.memory_space<vmem>>, vector<1x16xf32>,
      %swap3A_48 = vector.shape_cast %swap3A_47 : vector<1x16xf32> to vector<16xf32>
      %swap3A_49 = vector.shape_cast %broadcast_in_dim3A_44 : vector<16xf32> to vector<1x16xf32>
      tpu.vector_store %arg5[%swap3A_45, %swap3A_46], %swap3A_49 {strides = array<i32>} : memref<128x128xf32, #tpu.memory_space<vmem>>, vector<1x16xf32>,
      %broadcast_in_dim3A_50 = arith.constant 0.000000e+00 : f32
      %broadcast_in_dim3A_51 = vector.broadcast %broadcast_in_dim3A_50 : f32 to vector<16xf32>
      %swap3A_52 = arith.index_cast %scan3A_37 : i32 to index
      %swap3A_53 = arith.constant 32 : index
      %swap3A_54 = tpu.vector_load %arg5[%swap3A_52, %swap3A_53] {strides = array<i32>} : memref<128x128xf32, #tpu.memory_space<vmem>>, vector<1x16xf32>,
      %swap3A_55 = vector.shape_cast %swap3A_54 : vector<1x16xf32> to vector<16xf32>
      %swap3A_56 = vector.shape_cast %broadcast_in_dim3A_51 : vector<16xf32> to vector<1x16xf32>
      tpu.vector_store %arg5[%swap3A_52, %swap3A_53], %swap3A_56 {strides = array<i32>} : memref<128x128xf32, #tpu.memory_space<vmem>>, vector<1x16xf32>,
      %broadcast_in_dim3A_57 = arith.constant 0.000000e+00 : f32
      %broadcast_in_dim3A_58 = vector.broadcast %broadcast_in_dim3A_57 : f32 to vector<16xf32>
      %swap3A_59 = arith.index_cast %scan3A_37 : i32 to index
      %swap3A_60 = arith.constant 48 : index
      %swap3A_61 = tpu.vector_load %arg5[%swap3A_59, %swap3A_60] {strides = array<i32>} : memref<128x128xf32, #tpu.memory_space<vmem>>, vector<1x16xf32>,
      %swap3A_62 = vector.shape_cast %swap3A_61 : vector<1x16xf32> to vector<16xf32>
      %swap3A_63 = vector.shape_cast %broadcast_in_dim3A_58 : vector<16xf32> to vector<1x16xf32>
      tpu.vector_store %arg5[%swap3A_59, %swap3A_60], %swap3A_63 {strides = array<i32>} : memref<128x128xf32, #tpu.memory_space<vmem>>, vector<1x16xf32>,
      %broadcast_in_dim3A_64 = arith.constant 0.000000e+00 : f32
      %broadcast_in_dim3A_65 = vector.broadcast %broadcast_in_dim3A_64 : f32 to vector<16xf32>
      %swap3A_66 = arith.index_cast %scan3A_37 : i32 to index
      %swap3A_67 = arith.constant 64 : index
      %swap3A_68 = tpu.vector_load %arg5[%swap3A_66, %swap3A_67] {strides = array<i32>} : memref<128x128xf32, #tpu.memory_space<vmem>>, vector<1x16xf32>,
      %swap3A_69 = vector.shape_cast %swap3A_68 : vector<1x16xf32> to vector<16xf32>
      %swap3A_70 = vector.shape_cast %broadcast_in_dim3A_65 : vector<16xf32> to vector<1x16xf32>
      tpu.vector_store %arg5[%swap3A_66, %swap3A_67], %swap3A_70 {strides = array<i32>} : memref<128x128xf32, #tpu.memory_space<vmem>>, vector<1x16xf32>,
      %broadcast_in_dim3A_71 = arith.constant 0.000000e+00 : f32
      %broadcast_in_dim3A_72 = vector.broadcast %broadcast_in_dim3A_71 : f32 to vector<16xf32>
      %swap3A_73 = arith.index_cast %scan3A_37 : i32 to index
      %swap3A_74 = arith.constant 80 : index
      %swap3A_75 = tpu.vector_load %arg5[%swap3A_73, %swap3A_74] {strides = array<i32>} : memref<128x128xf32, #tpu.memory_space<vmem>>, vector<1x16xf32>,
      %swap3A_76 = vector.shape_cast %swap3A_75 : vector<1x16xf32> to vector<16xf32>
      %swap3A_77 = vector.shape_cast %broadcast_in_dim3A_72 : vector<16xf32> to vector<1x16xf32>
      tpu.vector_store %arg5[%swap3A_73, %swap3A_74], %swap3A_77 {strides = array<i32>} : memref<128x128xf32, #tpu.memory_space<vmem>>, vector<1x16xf32>,
      %broadcast_in_dim3A_78 = arith.constant 0.000000e+00 : f32
      %broadcast_in_dim3A_79 = vector.broadcast %broadcast_in_dim3A_78 : f32 to vector<16xf32>
      %swap3A_80 = arith.index_cast %scan3A_37 : i32 to index
      %swap3A_81 = arith.constant 96 : index
      %swap3A_82 = tpu.vector_load %arg5[%swap3A_80, %swap3A_81] {strides = array<i32>} : memref<128x128xf32, #tpu.memory_space<vmem>>, vector<1x16xf32>,
      %swap3A_83 = vector.shape_cast %swap3A_82 : vector<1x16xf32> to vector<16xf32>
      %swap3A_84 = vector.shape_cast %broadcast_in_dim3A_79 : vector<16xf32> to vector<1x16xf32>
      tpu.vector_store %arg5[%swap3A_80, %swap3A_81], %swap3A_84 {strides = array<i32>} : memref<128x128xf32, #tpu.memory_space<vmem>>, vector<1x16xf32>,
      %broadcast_in_dim3A_85 = arith.constant 0.000000e+00 : f32
      %broadcast_in_dim3A_86 = vector.broadcast %broadcast_in_dim3A_85 : f32 to vector<16xf32>
      %swap3A_87 = arith.index_cast %scan3A_37 : i32 to index
      %swap3A_88 = arith.constant 112 : index
      %swap3A_89 = tpu.vector_load %arg5[%swap3A_87, %swap3A_88] {strides = array<i32>} : memref<128x128xf32, #tpu.memory_space<vmem>>, vector<1x16xf32>,
      %swap3A_90 = vector.shape_cast %swap3A_89 : vector<1x16xf32> to vector<16xf32>
      %swap3A_91 = vector.shape_cast %broadcast_in_dim3A_86 : vector<16xf32> to vector<1x16xf32>
      tpu.vector_store %arg5[%swap3A_87, %swap3A_88], %swap3A_91 {strides = array<i32>} : memref<128x128xf32, #tpu.memory_space<vmem>>, vector<1x16xf32>,
    }
    %scan3A_5 = arith.constant 128 : i32
    %mul3A_6 = arith.constant 626 : i32
    %mul3A_7 = arith.muli %arg1, %mul3A_6 : i32
    %add3A_8 = arith.constant 0 : i32
    %add3A_9 = arith.addi %mul3A_7, %add3A_8 : i32
    "tpu.region"() ({
      %run_scoped3A = tpu.sem_alloc : memref<!tpu.dma_semaphore, #tpu.memory_space<semaphore_mem>>
      %dma_start3A = arith.constant 0 : i32
      %dma_start3A_37 = tpu.memref_slice %arg6[%add3A_9, %dma_start3A] : memref<10016x128xf32, #tpu.memory_space<vmem_shared>> -> memref<128x128xf32, #tpu.memory_space<vmem_shared>>
      %dma_start3A_38 = arith.constant 0 : i32
      %dma_start3A_39 = tpu.memref_slice %arg6[%add3A_9, %dma_start3A_38] : memref<10016x128xf32, #tpu.memory_space<vmem_shared>> -> memref<128x128xf32, #tpu.memory_space<vmem_shared>>
      tpu.enqueue_dma source(%arg5 : memref<128x128xf32, #tpu.memory_space<vmem>>) target(%dma_start3A_39 : memref<128x128xf32, #tpu.memory_space<vmem_shared>>) target_semaphore(%run_scoped3A : memref<!tpu.dma_semaphore, #tpu.memory_space<semaphore_mem>>)
      %dma_wait3A = arith.constant 0 : i32
      %dma_wait3A_40 = tpu.memref_slice %arg6[%add3A_9, %dma_wait3A] : memref<10016x128xf32, #tpu.memory_space<vmem_shared>> -> memref<128x128xf32, #tpu.memory_space<vmem_shared>>
      %dma_wait3A_41 = arith.constant 0 : i32
      %dma_wait3A_42 = tpu.memref_slice %arg6[%add3A_9, %dma_wait3A_41] : memref<10016x128xf32, #tpu.memory_space<vmem_shared>> -> memref<128x128xf32, #tpu.memory_space<vmem_shared>>
      tpu.wait_dma2 semaphore(%run_scoped3A : memref<!tpu.dma_semaphore, #tpu.memory_space<semaphore_mem>>) src(%arg5 : memref<128x128xf32, #tpu.memory_space<vmem>>) dst(%dma_wait3A_42 : memref<128x128xf32, #tpu.memory_space<vmem_shared>>)
      tpu.yield
    }) : () -> ()
    %add3A_10 = arith.constant 128 : i32
    %add3A_11 = arith.addi %mul3A_7, %add3A_10 : i32
    "tpu.region"() ({
      %run_scoped3A = tpu.sem_alloc : memref<!tpu.dma_semaphore, #tpu.memory_space<semaphore_mem>>
      %dma_start3A = arith.constant 0 : i32
      %dma_start3A_37 = tpu.memref_slice %arg6[%add3A_11, %dma_start3A] : memref<10016x128xf32, #tpu.memory_space<vmem_shared>> -> memref<128x128xf32, #tpu.memory_space<vmem_shared>>
      %dma_start3A_38 = arith.constant 0 : i32
      %dma_start3A_39 = tpu.memref_slice %arg6[%add3A_11, %dma_start3A_38] : memref<10016x128xf32, #tpu.memory_space<vmem_shared>> -> memref<128x128xf32, #tpu.memory_space<vmem_shared>>
      tpu.enqueue_dma source(%arg5 : memref<128x128xf32, #tpu.memory_space<vmem>>) target(%dma_start3A_39 : memref<128x128xf32, #tpu.memory_space<vmem_shared>>) target_semaphore(%run_scoped3A : memref<!tpu.dma_semaphore, #tpu.memory_space<semaphore_mem>>)
      %dma_wait3A = arith.constant 0 : i32
      %dma_wait3A_40 = tpu.memref_slice %arg6[%add3A_11, %dma_wait3A] : memref<10016x128xf32, #tpu.memory_space<vmem_shared>> -> memref<128x128xf32, #tpu.memory_space<vmem_shared>>
      %dma_wait3A_41 = arith.constant 0 : i32
      %dma_wait3A_42 = tpu.memref_slice %arg6[%add3A_11, %dma_wait3A_41] : memref<10016x128xf32, #tpu.memory_space<vmem_shared>> -> memref<128x128xf32, #tpu.memory_space<vmem_shared>>
      tpu.wait_dma2 semaphore(%run_scoped3A : memref<!tpu.dma_semaphore, #tpu.memory_space<semaphore_mem>>) src(%arg5 : memref<128x128xf32, #tpu.memory_space<vmem>>) dst(%dma_wait3A_42 : memref<128x128xf32, #tpu.memory_space<vmem_shared>>)
      tpu.yield
    }) : () -> ()
    %add3A_12 = arith.constant 256 : i32
    %add3A_13 = arith.addi %mul3A_7, %add3A_12 : i32
    "tpu.region"() ({
      %run_scoped3A = tpu.sem_alloc : memref<!tpu.dma_semaphore, #tpu.memory_space<semaphore_mem>>
      %dma_start3A = arith.constant 0 : i32
      %dma_start3A_37 = tpu.memref_slice %arg6[%add3A_13, %dma_start3A] : memref<10016x128xf32, #tpu.memory_space<vmem_shared>> -> memref<128x128xf32, #tpu.memory_space<vmem_shared>>
      %dma_start3A_38 = arith.constant 0 : i32
      %dma_start3A_39 = tpu.memref_slice %arg6[%add3A_13, %dma_start3A_38] : memref<10016x128xf32, #tpu.memory_space<vmem_shared>> -> memref<128x128xf32, #tpu.memory_space<vmem_shared>>
      tpu.enqueue_dma source(%arg5 : memref<128x128xf32, #tpu.memory_space<vmem>>) target(%dma_start3A_39 : memref<128x128xf32, #tpu.memory_space<vmem_shared>>) target_semaphore(%run_scoped3A : memref<!tpu.dma_semaphore, #tpu.memory_space<semaphore_mem>>)
      %dma_wait3A = arith.constant 0 : i32
      %dma_wait3A_40 = tpu.memref_slice %arg6[%add3A_13, %dma_wait3A] : memref<10016x128xf32, #tpu.memory_space<vmem_shared>> -> memref<128x128xf32, #tpu.memory_space<vmem_shared>>
      %dma_wait3A_41 = arith.constant 0 : i32
      %dma_wait3A_42 = tpu.memref_slice %arg6[%add3A_13, %dma_wait3A_41] : memref<10016x128xf32, #tpu.memory_space<vmem_shared>> -> memref<128x128xf32, #tpu.memory_space<vmem_shared>>
      tpu.wait_dma2 semaphore(%run_scoped3A : memref<!tpu.dma_semaphore, #tpu.memory_space<semaphore_mem>>) src(%arg5 : memref<128x128xf32, #tpu.memory_space<vmem>>) dst(%dma_wait3A_42 : memref<128x128xf32, #tpu.memory_space<vmem_shared>>)
      tpu.yield
    }) : () -> ()
    %add3A_14 = arith.constant 384 : i32
    %add3A_15 = arith.addi %mul3A_7, %add3A_14 : i32
    "tpu.region"() ({
      %run_scoped3A = tpu.sem_alloc : memref<!tpu.dma_semaphore, #tpu.memory_space<semaphore_mem>>
      %dma_start3A = arith.constant 0 : i32
      %dma_start3A_37 = tpu.memref_slice %arg6[%add3A_15, %dma_start3A] : memref<10016x128xf32, #tpu.memory_space<vmem_shared>> -> memref<128x128xf32, #tpu.memory_space<vmem_shared>>
      %dma_start3A_38 = arith.constant 0 : i32
      %dma_start3A_39 = tpu.memref_slice %arg6[%add3A_15, %dma_start3A_38] : memref<10016x128xf32, #tpu.memory_space<vmem_shared>> -> memref<128x128xf32, #tpu.memory_space<vmem_shared>>
      tpu.enqueue_dma source(%arg5 : memref<128x128xf32, #tpu.memory_space<vmem>>) target(%dma_start3A_39 : memref<128x128xf32, #tpu.memory_space<vmem_shared>>) target_semaphore(%run_scoped3A : memref<!tpu.dma_semaphore, #tpu.memory_space<semaphore_mem>>)
      %dma_wait3A = arith.constant 0 : i32
      %dma_wait3A_40 = tpu.memref_slice %arg6[%add3A_15, %dma_wait3A] : memref<10016x128xf32, #tpu.memory_space<vmem_shared>> -> memref<128x128xf32, #tpu.memory_space<vmem_shared>>
      %dma_wait3A_41 = arith.constant 0 : i32
      %dma_wait3A_42 = tpu.memref_slice %arg6[%add3A_15, %dma_wait3A_41] : memref<10016x128xf32, #tpu.memory_space<vmem_shared>> -> memref<128x128xf32, #tpu.memory_space<vmem_shared>>
      tpu.wait_dma2 semaphore(%run_scoped3A : memref<!tpu.dma_semaphore, #tpu.memory_space<semaphore_mem>>) src(%arg5 : memref<128x128xf32, #tpu.memory_space<vmem>>) dst(%dma_wait3A_42 : memref<128x128xf32, #tpu.memory_space<vmem_shared>>)
      tpu.yield
    }) : () -> ()
    %add3A_16 = arith.constant 512 : i32
    %add3A_17 = arith.addi %mul3A_7, %add3A_16 : i32
    "tpu.region"() ({
      %run_scoped3A = tpu.sem_alloc : memref<!tpu.dma_semaphore, #tpu.memory_space<semaphore_mem>>
      %dma_start3A = arith.constant 0 : i32
      %dma_start3A_37 = arith.constant 0 : i32
      %dma_start3A_38 = tpu.memref_slice %arg5[%dma_start3A, %dma_start3A_37] : memref<128x128xf32, #tpu.memory_space<vmem>> -> memref<114x128xf32, #tpu.memory_space<vmem>>
      %dma_start3A_39 = arith.constant 0 : i32
      %dma_start3A_40 = tpu.memref_slice %arg6[%add3A_17, %dma_start3A_39] : memref<10016x128xf32, #tpu.memory_space<vmem_shared>> -> memref<114x128xf32, #tpu.memory_space<vmem_shared>>
      %dma_start3A_41 = arith.constant 0 : i32
      %dma_start3A_42 = tpu.memref_slice %arg6[%add3A_17, %dma_start3A_41] : memref<10016x128xf32, #tpu.memory_space<vmem_shared>> -> memref<114x128xf32, #tpu.memory_space<vmem_shared>>
      %dma_start3A_43 = arith.constant 0 : i32
      %dma_start3A_44 = arith.constant 0 : i32
      %dma_start3A_45 = tpu.memref_slice %arg5[%dma_start3A_43, %dma_start3A_44] : memref<128x128xf32, #tpu.memory_space<vmem>> -> memref<114x128xf32, #tpu.memory_space<vmem>>
      tpu.enqueue_dma source(%dma_start3A_45 : memref<114x128xf32, #tpu.memory_space<vmem>>) target(%dma_start3A_42 : memref<114x128xf32, #tpu.memory_space<vmem_shared>>) target_semaphore(%run_scoped3A : memref<!tpu.dma_semaphore, #tpu.memory_space<semaphore_mem>>)
      %dma_wait3A = arith.constant 0 : i32
      %dma_wait3A_46 = arith.constant 0 : i32
      %dma_wait3A_47 = tpu.memref_slice %arg5[%dma_wait3A, %dma_wait3A_46] : memref<128x128xf32, #tpu.memory_space<vmem>> -> memref<114x128xf32, #tpu.memory_space<vmem>>
      %dma_wait3A_48 = arith.constant 0 : i32
      %dma_wait3A_49 = tpu.memref_slice %arg6[%add3A_17, %dma_wait3A_48] : memref<10016x128xf32, #tpu.memory_space<vmem_shared>> -> memref<114x128xf32, #tpu.memory_space<vmem_shared>>
      %dma_wait3A_50 = arith.constant 0 : i32
      %dma_wait3A_51 = tpu.memref_slice %arg6[%add3A_17, %dma_wait3A_50] : memref<10016x128xf32, #tpu.memory_space<vmem_shared>> -> memref<114x128xf32, #tpu.memory_space<vmem_shared>>
      %dma_wait3A_52 = arith.constant 0 : i32
      %dma_wait3A_53 = arith.constant 0 : i32
      %dma_wait3A_54 = tpu.memref_slice %arg5[%dma_wait3A_52, %dma_wait3A_53] : memref<128x128xf32, #tpu.memory_space<vmem>> -> memref<114x128xf32, #tpu.memory_space<vmem>>
      tpu.wait_dma2 semaphore(%run_scoped3A : memref<!tpu.dma_semaphore, #tpu.memory_space<semaphore_mem>>) src(%dma_wait3A_54 : memref<114x128xf32, #tpu.memory_space<vmem>>) dst(%dma_wait3A_51 : memref<114x128xf32, #tpu.memory_space<vmem_shared>>)
      tpu.yield
    }) : () -> ()
    %barrier3A = arith.constant 0 : index
    tpu.barrier barrier_id(%barrier3A)
    %scan3A_18 = arith.constant 0 : i32
    %scan3A_19 = arith.constant 0 : i32
    %scan3A_20 = arith.constant 128 : i32
    %scan3A_21 = arith.addi %scan3A_19, %scan3A_20 : i32
    %scan3A_22 = arith.constant 1 : i32
    scf.for %scan3A_37 = %scan3A_19 to %scan3A_21 step %scan3A_22  : i32 {
      %broadcast_in_dim3A = arith.constant 1.000000e+00 : f32
      %broadcast_in_dim3A_38 = vector.broadcast %broadcast_in_dim3A : f32 to vector<16xf32>
      %swap3A = arith.index_cast %scan3A_37 : i32 to index
      %swap3A_39 = arith.constant 0 : index
      %swap3A_40 = tpu.vector_load %arg5[%swap3A, %swap3A_39] {strides = array<i32>} : memref<128x128xf32, #tpu.memory_space<vmem>>, vector<1x16xf32>,
      %swap3A_41 = vector.shape_cast %swap3A_40 : vector<1x16xf32> to vector<16xf32>
      %swap3A_42 = vector.shape_cast %broadcast_in_dim3A_38 : vector<16xf32> to vector<1x16xf32>
      tpu.vector_store %arg5[%swap3A, %swap3A_39], %swap3A_42 {strides = array<i32>} : memref<128x128xf32, #tpu.memory_space<vmem>>, vector<1x16xf32>,
      %broadcast_in_dim3A_43 = arith.constant 1.000000e+00 : f32
      %broadcast_in_dim3A_44 = vector.broadcast %broadcast_in_dim3A_43 : f32 to vector<16xf32>
      %swap3A_45 = arith.index_cast %scan3A_37 : i32 to index
      %swap3A_46 = arith.constant 16 : index
      %swap3A_47 = tpu.vector_load %arg5[%swap3A_45, %swap3A_46] {strides = array<i32>} : memref<128x128xf32, #tpu.memory_space<vmem>>, vector<1x16xf32>,
      %swap3A_48 = vector.shape_cast %swap3A_47 : vector<1x16xf32> to vector<16xf32>
      %swap3A_49 = vector.shape_cast %broadcast_in_dim3A_44 : vector<16xf32> to vector<1x16xf32>
      tpu.vector_store %arg5[%swap3A_45, %swap3A_46], %swap3A_49 {strides = array<i32>} : memref<128x128xf32, #tpu.memory_space<vmem>>, vector<1x16xf32>,
      %broadcast_in_dim3A_50 = arith.constant 1.000000e+00 : f32
      %broadcast_in_dim3A_51 = vector.broadcast %broadcast_in_dim3A_50 : f32 to vector<16xf32>
      %swap3A_52 = arith.index_cast %scan3A_37 : i32 to index
      %swap3A_53 = arith.constant 32 : index
      %swap3A_54 = tpu.vector_load %arg5[%swap3A_52, %swap3A_53] {strides = array<i32>} : memref<128x128xf32, #tpu.memory_space<vmem>>, vector<1x16xf32>,
      %swap3A_55 = vector.shape_cast %swap3A_54 : vector<1x16xf32> to vector<16xf32>
      %swap3A_56 = vector.shape_cast %broadcast_in_dim3A_51 : vector<16xf32> to vector<1x16xf32>
      tpu.vector_store %arg5[%swap3A_52, %swap3A_53], %swap3A_56 {strides = array<i32>} : memref<128x128xf32, #tpu.memory_space<vmem>>, vector<1x16xf32>,
      %broadcast_in_dim3A_57 = arith.constant 1.000000e+00 : f32
      %broadcast_in_dim3A_58 = vector.broadcast %broadcast_in_dim3A_57 : f32 to vector<16xf32>
      %swap3A_59 = arith.index_cast %scan3A_37 : i32 to index
      %swap3A_60 = arith.constant 48 : index
      %swap3A_61 = tpu.vector_load %arg5[%swap3A_59, %swap3A_60] {strides = array<i32>} : memref<128x128xf32, #tpu.memory_space<vmem>>, vector<1x16xf32>,
      %swap3A_62 = vector.shape_cast %swap3A_61 : vector<1x16xf32> to vector<16xf32>
      %swap3A_63 = vector.shape_cast %broadcast_in_dim3A_58 : vector<16xf32> to vector<1x16xf32>
      tpu.vector_store %arg5[%swap3A_59, %swap3A_60], %swap3A_63 {strides = array<i32>} : memref<128x128xf32, #tpu.memory_space<vmem>>, vector<1x16xf32>,
      %broadcast_in_dim3A_64 = arith.constant 1.000000e+00 : f32
      %broadcast_in_dim3A_65 = vector.broadcast %broadcast_in_dim3A_64 : f32 to vector<16xf32>
      %swap3A_66 = arith.index_cast %scan3A_37 : i32 to index
      %swap3A_67 = arith.constant 64 : index
      %swap3A_68 = tpu.vector_load %arg5[%swap3A_66, %swap3A_67] {strides = array<i32>} : memref<128x128xf32, #tpu.memory_space<vmem>>, vector<1x16xf32>,
      %swap3A_69 = vector.shape_cast %swap3A_68 : vector<1x16xf32> to vector<16xf32>
      %swap3A_70 = vector.shape_cast %broadcast_in_dim3A_65 : vector<16xf32> to vector<1x16xf32>
      tpu.vector_store %arg5[%swap3A_66, %swap3A_67], %swap3A_70 {strides = array<i32>} : memref<128x128xf32, #tpu.memory_space<vmem>>, vector<1x16xf32>,
      %broadcast_in_dim3A_71 = arith.constant 1.000000e+00 : f32
      %broadcast_in_dim3A_72 = vector.broadcast %broadcast_in_dim3A_71 : f32 to vector<16xf32>
      %swap3A_73 = arith.index_cast %scan3A_37 : i32 to index
      %swap3A_74 = arith.constant 80 : index
      %swap3A_75 = tpu.vector_load %arg5[%swap3A_73, %swap3A_74] {strides = array<i32>} : memref<128x128xf32, #tpu.memory_space<vmem>>, vector<1x16xf32>,
      %swap3A_76 = vector.shape_cast %swap3A_75 : vector<1x16xf32> to vector<16xf32>
      %swap3A_77 = vector.shape_cast %broadcast_in_dim3A_72 : vector<16xf32> to vector<1x16xf32>
      tpu.vector_store %arg5[%swap3A_73, %swap3A_74], %swap3A_77 {strides = array<i32>} : memref<128x128xf32, #tpu.memory_space<vmem>>, vector<1x16xf32>,
      %broadcast_in_dim3A_78 = arith.constant 1.000000e+00 : f32
      %broadcast_in_dim3A_79 = vector.broadcast %broadcast_in_dim3A_78 : f32 to vector<16xf32>
      %swap3A_80 = arith.index_cast %scan3A_37 : i32 to index
      %swap3A_81 = arith.constant 96 : index
      %swap3A_82 = tpu.vector_load %arg5[%swap3A_80, %swap3A_81] {strides = array<i32>} : memref<128x128xf32, #tpu.memory_space<vmem>>, vector<1x16xf32>,
      %swap3A_83 = vector.shape_cast %swap3A_82 : vector<1x16xf32> to vector<16xf32>
      %swap3A_84 = vector.shape_cast %broadcast_in_dim3A_79 : vector<16xf32> to vector<1x16xf32>
      tpu.vector_store %arg5[%swap3A_80, %swap3A_81], %swap3A_84 {strides = array<i32>} : memref<128x128xf32, #tpu.memory_space<vmem>>, vector<1x16xf32>,
      %broadcast_in_dim3A_85 = arith.constant 1.000000e+00 : f32
      %broadcast_in_dim3A_86 = vector.broadcast %broadcast_in_dim3A_85 : f32 to vector<16xf32>
      %swap3A_87 = arith.index_cast %scan3A_37 : i32 to index
      %swap3A_88 = arith.constant 112 : index
      %swap3A_89 = tpu.vector_load %arg5[%swap3A_87, %swap3A_88] {strides = array<i32>} : memref<128x128xf32, #tpu.memory_space<vmem>>, vector<1x16xf32>,
      %swap3A_90 = vector.shape_cast %swap3A_89 : vector<1x16xf32> to vector<16xf32>
      %swap3A_91 = vector.shape_cast %broadcast_in_dim3A_86 : vector<16xf32> to vector<1x16xf32>
      tpu.vector_store %arg5[%swap3A_87, %swap3A_88], %swap3A_91 {strides = array<i32>} : memref<128x128xf32, #tpu.memory_space<vmem>>, vector<1x16xf32>,
    }
    %scan3A_23 = arith.constant 128 : i32
    "tpu.region"() ({
      %run_scoped3A = tpu.sem_alloc : memref<!tpu.dma_semaphore, #tpu.memory_space<semaphore_mem>>
      %dma_start3A = arith.constant 0 : i32
      %dma_start3A_37 = arith.constant 0 : i32
      %dma_start3A_38 = tpu.memref_slice %arg2[%add3A, %dma_start3A, %dma_start3A_37] : memref<32x79x128xi32, #tpu.memory_space<hbm>> -> memref<1x79x128xi32, #tpu.memory_space<hbm>>
      %dma_start3A_39 = tpu.memref_squeeze %dma_start3A_38 : memref<1x79x128xi32, #tpu.memory_space<hbm>> -> memref<79x128xi32, #tpu.memory_space<hbm>>
      %dma_start3A_40 = arith.constant 0 : i32
      %dma_start3A_41 = arith.constant 0 : i32
      %dma_start3A_42 = tpu.memref_slice %arg2[%add3A, %dma_start3A_40, %dma_start3A_41] : memref<32x79x128xi32, #tpu.memory_space<hbm>> -> memref<1x79x128xi32, #tpu.memory_space<hbm>>
      %dma_start3A_43 = tpu.memref_squeeze %dma_start3A_42 : memref<1x79x128xi32, #tpu.memory_space<hbm>> -> memref<79x128xi32, #tpu.memory_space<hbm>>
      tpu.enqueue_dma source(%dma_start3A_43 : memref<79x128xi32, #tpu.memory_space<hbm>>) target(%arg4 : memref<79x128xi32, #tpu.memory_space<vmem>>) target_semaphore(%run_scoped3A : memref<!tpu.dma_semaphore, #tpu.memory_space<semaphore_mem>>)
      %dma_wait3A = arith.constant 0 : i32
      %dma_wait3A_44 = arith.constant 0 : i32
      %dma_wait3A_45 = tpu.memref_slice %arg2[%add3A, %dma_wait3A, %dma_wait3A_44] : memref<32x79x128xi32, #tpu.memory_space<hbm>> -> memref<1x79x128xi32, #tpu.memory_space<hbm>>
      %dma_wait3A_46 = tpu.memref_squeeze %dma_wait3A_45 : memref<1x79x128xi32, #tpu.memory_space<hbm>> -> memref<79x128xi32, #tpu.memory_space<hbm>>
      %dma_wait3A_47 = arith.constant 0 : i32
      %dma_wait3A_48 = arith.constant 0 : i32
      %dma_wait3A_49 = tpu.memref_slice %arg2[%add3A, %dma_wait3A_47, %dma_wait3A_48] : memref<32x79x128xi32, #tpu.memory_space<hbm>> -> memref<1x79x128xi32, #tpu.memory_space<hbm>>
      %dma_wait3A_50 = tpu.memref_squeeze %dma_wait3A_49 : memref<1x79x128xi32, #tpu.memory_space<hbm>> -> memref<79x128xi32, #tpu.memory_space<hbm>>
      tpu.wait_dma2 semaphore(%run_scoped3A : memref<!tpu.dma_semaphore, #tpu.memory_space<semaphore_mem>>) src(%dma_wait3A_50 : memref<79x128xi32, #tpu.memory_space<hbm>>) dst(%arg4 : memref<79x128xi32, #tpu.memory_space<vmem>>)
      tpu.yield
    }) : () -> ()
    %scan3A_24 = arith.constant 0 : i32
    %scan3A_25 = arith.constant 0 : i32
    %scan3A_26 = arith.constant 79 : i32
    %scan3A_27 = arith.addi %scan3A_25, %scan3A_26 : i32
    %scan3A_28 = arith.constant 1 : i32
    scf.for %scan3A_37 = %scan3A_25 to %scan3A_27 step %scan3A_28  : i32 {
      "tpu.region"() ({
        %run_scoped3A = tpu.sem_alloc : memref<!tpu.dma_semaphore, #tpu.memory_space<semaphore_mem>>
        %dma_start3A = arith.constant 0 : i32
        %dma_start3A_38 = tpu.memref_slice %arg4[%scan3A_37, %dma_start3A] : memref<79x128xi32, #tpu.memory_space<vmem>> -> memref<1x128xi32, #tpu.memory_space<vmem>>
        %dma_start3A_39 = tpu.memref_squeeze %dma_start3A_38 : memref<1x128xi32, #tpu.memory_space<vmem>> -> memref<128xi32, #tpu.memory_space<vmem>>
        %dma_start3A_40 = arith.constant 0 : i32
        %dma_start3A_41 = arith.constant 0 : i32
        %dma_start3A_42 = tpu.memref_slice %arg6[%dma_start3A_40, %dma_start3A_41] : memref<10016x128xf32, #tpu.memory_space<vmem_shared>> -> memref<10016x128xf32, #tpu.memory_space<vmem_shared>>
        tpu.enqueue_indirect_dma source(%arg5 : memref<128x128xf32, #tpu.memory_space<vmem>>) target(%dma_start3A_42 : memref<10016x128xf32, #tpu.memory_space<vmem_shared>>) offsets(%dma_start3A_39 : memref<128xi32, #tpu.memory_space<vmem>>) semaphore(%run_scoped3A : memref<!tpu.dma_semaphore, #tpu.memory_space<semaphore_mem>>) {add = true}
        %dma_wait3A = arith.constant 0 : i32
        %dma_wait3A_43 = tpu.memref_slice %arg4[%scan3A_37, %dma_wait3A] : memref<79x128xi32, #tpu.memory_space<vmem>> -> memref<1x128xi32, #tpu.memory_space<vmem>>
        %dma_wait3A_44 = tpu.memref_squeeze %dma_wait3A_43 : memref<1x128xi32, #tpu.memory_space<vmem>> -> memref<128xi32, #tpu.memory_space<vmem>>
        %dma_wait3A_45 = arith.constant 0 : i32
        %dma_wait3A_46 = arith.constant 0 : i32
        %dma_wait3A_47 = tpu.memref_slice %arg6[%dma_wait3A_45, %dma_wait3A_46] : memref<10016x128xf32, #tpu.memory_space<vmem_shared>> -> memref<10016x128xf32, #tpu.memory_space<vmem_shared>>
        tpu.wait_indirect_dma semaphore(%run_scoped3A : memref<!tpu.dma_semaphore, #tpu.memory_space<semaphore_mem>>) src(%arg5 : memref<128x128xf32, #tpu.memory_space<vmem>>) dst(%dma_wait3A_47 : memref<10016x128xf32, #tpu.memory_space<vmem_shared>>)
        tpu.yield
      }) : () -> ()
    }
    %scan3A_29 = arith.constant 79 : i32
    %barrier3A_30 = arith.constant 0 : index
    tpu.barrier barrier_id(%barrier3A_30)
    %mul3A_31 = arith.constant 624 : i32
    %mul3A_32 = arith.muli %arg1, %mul3A_31 : i32
    %mul3A_33 = arith.constant 624 : i32
    %mul3A_34 = arith.muli %arg1, %mul3A_33 : i32
    "tpu.region"() ({
      %run_scoped3A = tpu.sem_alloc : memref<!tpu.dma_semaphore, #tpu.memory_space<semaphore_mem>>
      %dma_start3A = arith.constant 0 : i32
      %dma_start3A_37 = tpu.memref_slice %arg3[%arg0, %mul3A_34, %dma_start3A] : memref<2x10000x128xf32, #tpu.memory_space<hbm>> -> memref<1x624x128xf32, #tpu.memory_space<hbm>>
      %dma_start3A_38 = tpu.memref_squeeze %dma_start3A_37 : memref<1x624x128xf32, #tpu.memory_space<hbm>> -> memref<624x128xf32, #tpu.memory_space<hbm>>
      %dma_start3A_39 = arith.constant 0 : i32
      %dma_start3A_40 = tpu.memref_slice %arg6[%mul3A_32, %dma_start3A_39] : memref<10016x128xf32, #tpu.memory_space<vmem_shared>> -> memref<624x128xf32, #tpu.memory_space<vmem_shared>>
      tpu.enqueue_dma source(%dma_start3A_40 : memref<624x128xf32, #tpu.memory_space<vmem_shared>>) target(%dma_start3A_38 : memref<624x128xf32, #tpu.memory_space<hbm>>) target_semaphore(%run_scoped3A : memref<!tpu.dma_semaphore, #tpu.memory_space<semaphore_mem>>)
      %dma_wait3A = arith.constant 0 : i32
      %dma_wait3A_41 = tpu.memref_slice %arg3[%arg0, %mul3A_34, %dma_wait3A] : memref<2x10000x128xf32, #tpu.memory_space<hbm>> -> memref<1x624x128xf32, #tpu.memory_space<hbm>>
      %dma_wait3A_42 = tpu.memref_squeeze %dma_wait3A_41 : memref<1x624x128xf32, #tpu.memory_space<hbm>> -> memref<624x128xf32, #tpu.memory_space<hbm>>
      %dma_wait3A_43 = arith.constant 0 : i32
      %dma_wait3A_44 = tpu.memref_slice %arg6[%mul3A_32, %dma_wait3A_43] : memref<10016x128xf32, #tpu.memory_space<vmem_shared>> -> memref<624x128xf32, #tpu.memory_space<vmem_shared>>
      tpu.wait_dma2 semaphore(%run_scoped3A : memref<!tpu.dma_semaphore, #tpu.memory_space<semaphore_mem>>) src(%dma_wait3A_44 : memref<624x128xf32, #tpu.memory_space<vmem_shared>>) dst(%dma_wait3A_42 : memref<624x128xf32, #tpu.memory_space<hbm>>)
      tpu.yield
    }) : () -> ()
    %eq3A = arith.constant 0 : i32
    %eq3A_35 = arith.cmpi eq, %arg1, %eq3A : i32
    %convert_element_type3A = arith.extui %eq3A_35 : i1 to i32
    %cond3A = arith.constant 0 : i32
    %cond3A_36 = arith.cmpi ne, %convert_element_type3A, %cond3A : i32
    scf.if %cond3A_36 {
      "tpu.region"() ({
        %run_scoped3A = tpu.sem_alloc : memref<!tpu.dma_semaphore, #tpu.memory_space<semaphore_mem>>
        %dma_start3A = arith.constant 9984 : i32
        %dma_start3A_37 = arith.constant 0 : i32
        %dma_start3A_38 = tpu.memref_slice %arg3[%arg0, %dma_start3A, %dma_start3A_37] : memref<2x10000x128xf32, #tpu.memory_space<hbm>> -> memref<1x16x128xf32, #tpu.memory_space<hbm>>
        %dma_start3A_39 = tpu.memref_squeeze %dma_start3A_38 : memref<1x16x128xf32, #tpu.memory_space<hbm>> -> memref<16x128xf32, #tpu.memory_space<hbm>>
        %dma_start3A_40 = arith.constant 9984 : i32
        %dma_start3A_41 = arith.constant 0 : i32
        %dma_start3A_42 = tpu.memref_slice %arg6[%dma_start3A_40, %dma_start3A_41] : memref<10016x128xf32, #tpu.memory_space<vmem_shared>> -> memref<16x128xf32, #tpu.memory_space<vmem_shared>>
        tpu.enqueue_dma source(%dma_start3A_42 : memref<16x128xf32, #tpu.memory_space<vmem_shared>>) target(%dma_start3A_39 : memref<16x128xf32, #tpu.memory_space<hbm>>) target_semaphore(%run_scoped3A : memref<!tpu.dma_semaphore, #tpu.memory_space<semaphore_mem>>)
        %dma_wait3A = arith.constant 9984 : i32
        %dma_wait3A_43 = arith.constant 0 : i32
        %dma_wait3A_44 = tpu.memref_slice %arg3[%arg0, %dma_wait3A, %dma_wait3A_43] : memref<2x10000x128xf32, #tpu.memory_space<hbm>> -> memref<1x16x128xf32, #tpu.memory_space<hbm>>
        %dma_wait3A_45 = tpu.memref_squeeze %dma_wait3A_44 : memref<1x16x128xf32, #tpu.memory_space<hbm>> -> memref<16x128xf32, #tpu.memory_space<hbm>>
        %dma_wait3A_46 = arith.constant 9984 : i32
        %dma_wait3A_47 = arith.constant 0 : i32
        %dma_wait3A_48 = tpu.memref_slice %arg6[%dma_wait3A_46, %dma_wait3A_47] : memref<10016x128xf32, #tpu.memory_space<vmem_shared>> -> memref<16x128xf32, #tpu.memory_space<vmem_shared>>
        tpu.wait_dma2 semaphore(%run_scoped3A : memref<!tpu.dma_semaphore, #tpu.memory_space<semaphore_mem>>) src(%dma_wait3A_48 : memref<16x128xf32, #tpu.memory_space<vmem_shared>>) dst(%dma_wait3A_45 : memref<16x128xf32, #tpu.memory_space<hbm>>)
        tpu.yield
      }) : () -> ()
    } else {
    }
    return
  }
}

module attributes {stable_mosaic.version = 14 : i64} {
  func.func @_tc1_body(%arg0: i32, %arg1: memref<1000x128xf32, #tpu.memory_space<vmem>>, %arg2: memref<1000x128xf32, #tpu.memory_space<vmem>>, %arg3: memref<1000x128xf32, #tpu.memory_space<vmem>>, %arg4: memref<128x128xf32, #tpu.memory_space<vmem>>, %arg5: memref<1x128xf32, #tpu.memory_space<vmem>>, %arg6: memref<128x128xf32, #tpu.memory_space<vmem>>, %arg7: memref<1x128xf32, #tpu.memory_space<vmem>>, %arg8: memref<128x128xf32, #tpu.memory_space<vmem>>, %arg9: memref<1000x128xf32, #tpu.memory_space<vmem>>, %arg10: memref<1000x128xf32, #tpu.memory_space<vmem>>, %arg11: memref<1000x16xf32, #tpu.memory_space<vmem>>) attributes {dimension_semantics = [#tpu.dimension_semantics<arbitrary>], iteration_bounds = array<i64: 10>, scalar_prefetch = 0 : i64, scratch_operands = 0 : i64, tpu.core_type = #tpu.core_type<tc>, window_params = [{transform_indices = @transform_0, window_bounds = array<i64: 1000, 128>}, {transform_indices = @transform_1, window_bounds = array<i64: 1000, 128>}, {transform_indices = @transform_2, window_bounds = array<i64: 1000, 128>}, {pipeline_mode = #tpu.pipeline_mode<synchronous>, transform_indices = @transform_3, window_bounds = array<i64: 128, 128>}, {pipeline_mode = #tpu.pipeline_mode<synchronous>, transform_indices = @transform_4, window_bounds = array<i64: 1, 128>}, {pipeline_mode = #tpu.pipeline_mode<synchronous>, transform_indices = @transform_5, window_bounds = array<i64: 128, 128>}, {pipeline_mode = #tpu.pipeline_mode<synchronous>, transform_indices = @transform_6, window_bounds = array<i64: 1, 128>}, {pipeline_mode = #tpu.pipeline_mode<synchronous>, transform_indices = @transform_7, window_bounds = array<i64: 128, 128>}, {transform_indices = @transform_8, window_bounds = array<i64: 1000, 128>}, {transform_indices = @transform_9, window_bounds = array<i64: 1000, 128>}, {transform_indices = @transform_10, window_bounds = array<i64: 1000, 16>}]} {
    %get3A = arith.constant 0 : index
    %get3A_0 = arith.constant 0 : index
    %get3A_1 = vector.load %arg1[%get3A, %get3A_0] : memref<1000x128xf32, #tpu.memory_space<vmem>>, vector<1000x128xf32>
    %get3A_2 = arith.constant 0 : index
    %get3A_3 = arith.constant 0 : index
    %get3A_4 = vector.load %arg4[%get3A_2, %get3A_3] : memref<128x128xf32, #tpu.memory_space<vmem>>, vector<128x128xf32>
    %dot_general3A = arith.constant dense<0.000000e+00> : vector<1000x128xf32>
    %dot_general3A_5 = tpu.matmul %get3A_1, %get3A_4, %dot_general3A {dimension_numbers = #tpu.dot_dimension_numbers<[1], [0], [0], [1], [0, 0, 1, 1], [], []>, transpose_lhs_hint = false} : vector<1000x128xf32>, vector<128x128xf32>, vector<1000x128xf32> -> vector<1000x128xf32>
    %get3A_6 = arith.constant 0 : index
    %get3A_7 = arith.constant 0 : index
    %get3A_8 = vector.load %arg5[%get3A_6, %get3A_7] : memref<1x128xf32, #tpu.memory_space<vmem>>, vector<1x128xf32>
    %add3A = vector.broadcast %get3A_8 : vector<1x128xf32> to vector<1000x128xf32>
    %add3A_9 = arith.addf %dot_general3A_5, %add3A : vector<1000x128xf32>
    %max3A = arith.constant 0.000000e+00 : f32
    %max3A_10 = vector.broadcast %max3A : f32 to vector<1000x128xf32>
    %max3A_11 = arith.maximumf %add3A_9, %max3A_10 : vector<1000x128xf32>
    %get3A_12 = arith.constant 0 : index
    %get3A_13 = arith.constant 0 : index
    %get3A_14 = vector.load %arg6[%get3A_12, %get3A_13] : memref<128x128xf32, #tpu.memory_space<vmem>>, vector<128x128xf32>
    %dot_general3A_15 = arith.constant dense<0.000000e+00> : vector<1000x128xf32>
    %dot_general3A_16 = tpu.matmul %max3A_11, %get3A_14, %dot_general3A_15 {dimension_numbers = #tpu.dot_dimension_numbers<[1], [0], [0], [1], [0, 0, 1, 1], [], []>, transpose_lhs_hint = false} : vector<1000x128xf32>, vector<128x128xf32>, vector<1000x128xf32> -> vector<1000x128xf32>
    %get3A_17 = arith.constant 0 : index
    %get3A_18 = arith.constant 0 : index
    %get3A_19 = vector.load %arg7[%get3A_17, %get3A_18] : memref<1x128xf32, #tpu.memory_space<vmem>>, vector<1x128xf32>
    %add3A_20 = vector.broadcast %get3A_19 : vector<1x128xf32> to vector<1000x128xf32>
    %add3A_21 = arith.addf %dot_general3A_16, %add3A_20 : vector<1000x128xf32>
    %max3A_22 = arith.constant 0.000000e+00 : f32
    %max3A_23 = vector.broadcast %max3A_22 : f32 to vector<1000x128xf32>
    %max3A_24 = arith.maximumf %add3A_21, %max3A_23 : vector<1000x128xf32>
    %get3A_25 = arith.constant 0 : index
    %get3A_26 = arith.constant 0 : index
    %get3A_27 = vector.load %arg2[%get3A_25, %get3A_26] : memref<1000x128xf32, #tpu.memory_space<vmem>>, vector<1000x1xf32>
    %get3A_28 = arith.constant 0 : index
    %get3A_29 = arith.constant 0 : index
    %get3A_30 = vector.load %arg3[%get3A_28, %get3A_29] : memref<1000x128xf32, #tpu.memory_space<vmem>>, vector<1000x1xf32>
    %add3A_31 = arith.addf %get3A_27, %get3A_30 : vector<1000x1xf32>
    %gt3A = arith.constant 0.000000e+00 : f32
    %gt3A_32 = vector.broadcast %gt3A : f32 to vector<1000x1xf32>
    %gt3A_33 = arith.cmpf ogt, %add3A_31, %gt3A_32 : vector<1000x1xf32>
    %max3A_34 = arith.constant 9.99999996E-13 : f32
    %max3A_35 = vector.broadcast %max3A_34 : f32 to vector<1000x1xf32>
    %max3A_36 = arith.maximumf %add3A_31, %max3A_35 : vector<1000x1xf32>
    %sqrt3A = math.sqrt %max3A_36 : vector<1000x1xf32>
    %div3A = arith.constant 1.000000e+00 : f32
    %div3A_37 = vector.broadcast %div3A : f32 to vector<1000x1xf32>
    %div3A_38 = arith.divf %div3A_37, %sqrt3A : vector<1000x1xf32>
    %jit3A = arith.constant 0.000000e+00 : f32
    %broadcast_in_dim3A = vector.broadcast %jit3A : f32 to vector<1000x1xf32>
    %select_n3A = arith.select %gt3A_33, %div3A_38, %broadcast_in_dim3A : vector<1000x1xi1>, vector<1000x1xf32>
    %swap3A = arith.constant 0 : index
    %swap3A_39 = arith.constant 0 : index
    %swap3A_40 = vector.load %arg9[%swap3A, %swap3A_39] : memref<1000x128xf32, #tpu.memory_space<vmem>>, vector<1000x128xf32>
    tpu.vector_store %arg9[%swap3A, %swap3A_39], %max3A_24 {strides = array<i32>} : memref<1000x128xf32, #tpu.memory_space<vmem>>, vector<1000x128xf32>,
    %neg3A = arith.constant 0.000000e+00 : f32
    %neg3A_41 = vector.broadcast %neg3A : f32 to vector<1000x1xf32>
    %neg3A_42 = arith.subf %neg3A_41, %select_n3A : vector<1000x1xf32>
    %get3A_43 = arith.constant 0 : index
    %get3A_44 = arith.constant 0 : index
    %get3A_45 = vector.load %arg8[%get3A_43, %get3A_44] : memref<128x128xf32, #tpu.memory_space<vmem>>, vector<128x128xf32>
    %dot_general3A_46 = arith.constant dense<0.000000e+00> : vector<1000x128xf32>
    %dot_general3A_47 = tpu.matmul %max3A_24, %get3A_45, %dot_general3A_46 {dimension_numbers = #tpu.dot_dimension_numbers<[1], [0], [0], [1], [0, 0, 1, 1], [], []>, transpose_lhs_hint = false} : vector<1000x128xf32>, vector<128x128xf32>, vector<1000x128xf32> -> vector<1000x128xf32>
    %mul3A = vector.broadcast %neg3A_42 : vector<1000x1xf32> to vector<1000x128xf32>
    %mul3A_48 = arith.mulf %mul3A, %dot_general3A_47 : vector<1000x128xf32>
    %swap3A_49 = arith.constant 0 : index
    %swap3A_50 = arith.constant 0 : index
    %swap3A_51 = vector.load %arg10[%swap3A_49, %swap3A_50] : memref<1000x128xf32, #tpu.memory_space<vmem>>, vector<1000x128xf32>
    tpu.vector_store %arg10[%swap3A_49, %swap3A_50], %mul3A_48 {strides = array<i32>} : memref<1000x128xf32, #tpu.memory_space<vmem>>, vector<1000x128xf32>,
    %broadcast_in_dim3A_52 = vector.shape_cast %select_n3A : vector<1000x1xf32> to vector<1000x1xf32>
    %broadcast_in_dim3A_53 = vector.broadcast %broadcast_in_dim3A_52 : vector<1000x1xf32> to vector<1000x16xf32>
    %swap3A_54 = arith.constant 0 : index
    %swap3A_55 = arith.constant 0 : index
    %swap3A_56 = vector.load %arg11[%swap3A_54, %swap3A_55] : memref<1000x16xf32, #tpu.memory_space<vmem>>, vector<1000x16xf32>
    tpu.vector_store %arg11[%swap3A_54, %swap3A_55], %broadcast_in_dim3A_53 {strides = array<i32>} : memref<1000x16xf32, #tpu.memory_space<vmem>>, vector<1000x16xf32>,
    return
  }
  func.func @transform_0(%arg0: i32) -> (i32, i32) {
    %c0_i32 = arith.constant 0 : i32
    %c0_i32_0 = arith.constant 0 : i32
    return %arg0, %c0_i32 : i32, i32
  }
  func.func @transform_1(%arg0: i32) -> (i32, i32) {
    %c0_i32 = arith.constant 0 : i32
    %c0_i32_0 = arith.constant 0 : i32
    return %arg0, %c0_i32 : i32, i32
  }
  func.func @transform_2(%arg0: i32) -> (i32, i32) {
    %c0_i32 = arith.constant 0 : i32
    %c0_i32_0 = arith.constant 0 : i32
    return %arg0, %c0_i32 : i32, i32
  }
  func.func @transform_3(%arg0: i32) -> (i32, i32) {
    %c0_i32 = arith.constant 0 : i32
    %c0_i32_0 = arith.constant 0 : i32
    %c0_i32_1 = arith.constant 0 : i32
    return %c0_i32, %c0_i32_0 : i32, i32
  }
  func.func @transform_4(%arg0: i32) -> (i32, i32) {
    %c0_i32 = arith.constant 0 : i32
    %c0_i32_0 = arith.constant 0 : i32
    %c0_i32_1 = arith.constant 0 : i32
    return %c0_i32, %c0_i32_0 : i32, i32
  }
  func.func @transform_5(%arg0: i32) -> (i32, i32) {
    %c0_i32 = arith.constant 0 : i32
    %c0_i32_0 = arith.constant 0 : i32
    %c0_i32_1 = arith.constant 0 : i32
    return %c0_i32, %c0_i32_0 : i32, i32
  }
  func.func @transform_6(%arg0: i32) -> (i32, i32) {
    %c0_i32 = arith.constant 0 : i32
    %c0_i32_0 = arith.constant 0 : i32
    %c0_i32_1 = arith.constant 0 : i32
    return %c0_i32, %c0_i32_0 : i32, i32
  }
  func.func @transform_7(%arg0: i32) -> (i32, i32) {
    %c0_i32 = arith.constant 0 : i32
    %c0_i32_0 = arith.constant 0 : i32
    %c0_i32_1 = arith.constant 0 : i32
    return %c0_i32, %c0_i32_0 : i32, i32
  }
  func.func @transform_8(%arg0: i32) -> (i32, i32) {
    %c0_i32 = arith.constant 0 : i32
    %c0_i32_0 = arith.constant 0 : i32
    return %arg0, %c0_i32 : i32, i32
  }
  func.func @transform_9(%arg0: i32) -> (i32, i32) {
    %c0_i32 = arith.constant 0 : i32
    %c0_i32_0 = arith.constant 0 : i32
    return %arg0, %c0_i32 : i32, i32
  }
  func.func @transform_10(%arg0: i32) -> (i32, i32) {
    %c0_i32 = arith.constant 0 : i32
    %c0_i32_0 = arith.constant 0 : i32
    return %arg0, %c0_i32 : i32, i32
  }
}

module attributes {stable_mosaic.version = 14 : i64} {
  func.func @_tc2_body(%arg0: i32, %arg1: memref<1000x128xf32, #tpu.memory_space<vmem>>, %arg2: memref<1000x128xf32, #tpu.memory_space<vmem>>, %arg3: memref<1000x128xf32, #tpu.memory_space<vmem>>, %arg4: memref<1000x16xf32, #tpu.memory_space<vmem>>, %arg5: memref<128x128xf32, #tpu.memory_space<vmem>>, %arg6: memref<1x128xf32, #tpu.memory_space<vmem>>, %arg7: memref<128x128xf32, #tpu.memory_space<vmem>>, %arg8: memref<1000x128xf32, #tpu.memory_space<vmem>>, %arg9: memref<1000x128xf32, #tpu.memory_space<vmem>>) attributes {dimension_semantics = [#tpu.dimension_semantics<arbitrary>], iteration_bounds = array<i64: 10>, scalar_prefetch = 0 : i64, scratch_operands = 0 : i64, tpu.core_type = #tpu.core_type<tc>, window_params = [{transform_indices = @transform_0, window_bounds = array<i64: 1000, 128>}, {transform_indices = @transform_1, window_bounds = array<i64: 1000, 128>}, {transform_indices = @transform_2, window_bounds = array<i64: 1000, 128>}, {transform_indices = @transform_3, window_bounds = array<i64: 1000, 16>}, {pipeline_mode = #tpu.pipeline_mode<synchronous>, transform_indices = @transform_4, window_bounds = array<i64: 128, 128>}, {pipeline_mode = #tpu.pipeline_mode<synchronous>, transform_indices = @transform_5, window_bounds = array<i64: 1, 128>}, {pipeline_mode = #tpu.pipeline_mode<synchronous>, transform_indices = @transform_6, window_bounds = array<i64: 128, 128>}, {transform_indices = @transform_7, window_bounds = array<i64: 1000, 128>}, {transform_indices = @transform_8, window_bounds = array<i64: 1000, 128>}]} {
    %get3A = arith.constant 0 : index
    %get3A_0 = arith.constant 0 : index
    %get3A_1 = vector.load %arg4[%get3A, %get3A_0] : memref<1000x16xf32, #tpu.memory_space<vmem>>, vector<1000x1xf32>
    %get3A_2 = arith.constant 0 : index
    %get3A_3 = arith.constant 0 : index
    %get3A_4 = vector.load %arg1[%get3A_2, %get3A_3] : memref<1000x128xf32, #tpu.memory_space<vmem>>, vector<1000x128xf32>
    %get3A_5 = arith.constant 0 : index
    %get3A_6 = arith.constant 0 : index
    %get3A_7 = vector.load %arg5[%get3A_5, %get3A_6] : memref<128x128xf32, #tpu.memory_space<vmem>>, vector<128x128xf32>
    %dot_general3A = arith.constant dense<0.000000e+00> : vector<1000x128xf32>
    %dot_general3A_8 = tpu.matmul %get3A_4, %get3A_7, %dot_general3A {dimension_numbers = #tpu.dot_dimension_numbers<[1], [0], [0], [1], [0, 0, 1, 1], [], []>, transpose_lhs_hint = false} : vector<1000x128xf32>, vector<128x128xf32>, vector<1000x128xf32> -> vector<1000x128xf32>
    %get3A_9 = arith.constant 0 : index
    %get3A_10 = arith.constant 0 : index
    %get3A_11 = vector.load %arg2[%get3A_9, %get3A_10] : memref<1000x128xf32, #tpu.memory_space<vmem>>, vector<1000x128xf32>
    %get3A_12 = arith.constant 0 : index
    %get3A_13 = arith.constant 0 : index
    %get3A_14 = vector.load %arg3[%get3A_12, %get3A_13] : memref<1000x128xf32, #tpu.memory_space<vmem>>, vector<1000x128xf32>
    %add3A = arith.addf %get3A_11, %get3A_14 : vector<1000x128xf32>
    %mul3A = vector.broadcast %get3A_1 : vector<1000x1xf32> to vector<1000x128xf32>
    %mul3A_15 = arith.mulf %mul3A, %add3A : vector<1000x128xf32>
    %add3A_16 = arith.addf %dot_general3A_8, %mul3A_15 : vector<1000x128xf32>
    %get3A_17 = arith.constant 0 : index
    %get3A_18 = arith.constant 0 : index
    %get3A_19 = vector.load %arg6[%get3A_17, %get3A_18] : memref<1x128xf32, #tpu.memory_space<vmem>>, vector<1x128xf32>
    %add3A_20 = vector.broadcast %get3A_19 : vector<1x128xf32> to vector<1000x128xf32>
    %add3A_21 = arith.addf %add3A_16, %add3A_20 : vector<1000x128xf32>
    %swap3A = arith.constant 0 : index
    %swap3A_22 = arith.constant 0 : index
    %swap3A_23 = vector.load %arg8[%swap3A, %swap3A_22] : memref<1000x128xf32, #tpu.memory_space<vmem>>, vector<1000x128xf32>
    tpu.vector_store %arg8[%swap3A, %swap3A_22], %add3A_21 {strides = array<i32>} : memref<1000x128xf32, #tpu.memory_space<vmem>>, vector<1000x128xf32>,
    %neg3A = arith.constant 0.000000e+00 : f32
    %neg3A_24 = vector.broadcast %neg3A : f32 to vector<1000x1xf32>
    %neg3A_25 = arith.subf %neg3A_24, %get3A_1 : vector<1000x1xf32>
    %get3A_26 = arith.constant 0 : index
    %get3A_27 = arith.constant 0 : index
    %get3A_28 = vector.load %arg7[%get3A_26, %get3A_27] : memref<128x128xf32, #tpu.memory_space<vmem>>, vector<128x128xf32>
    %dot_general3A_29 = arith.constant dense<0.000000e+00> : vector<1000x128xf32>
    %dot_general3A_30 = tpu.matmul %add3A_21, %get3A_28, %dot_general3A_29 {dimension_numbers = #tpu.dot_dimension_numbers<[1], [0], [0], [1], [0, 0, 1, 1], [], []>, transpose_lhs_hint = false} : vector<1000x128xf32>, vector<128x128xf32>, vector<1000x128xf32> -> vector<1000x128xf32>
    %mul3A_31 = vector.broadcast %neg3A_25 : vector<1000x1xf32> to vector<1000x128xf32>
    %mul3A_32 = arith.mulf %mul3A_31, %dot_general3A_30 : vector<1000x128xf32>
    %swap3A_33 = arith.constant 0 : index
    %swap3A_34 = arith.constant 0 : index
    %swap3A_35 = vector.load %arg9[%swap3A_33, %swap3A_34] : memref<1000x128xf32, #tpu.memory_space<vmem>>, vector<1000x128xf32>
    tpu.vector_store %arg9[%swap3A_33, %swap3A_34], %mul3A_32 {strides = array<i32>} : memref<1000x128xf32, #tpu.memory_space<vmem>>, vector<1000x128xf32>,
    return
  }
  func.func @transform_0(%arg0: i32) -> (i32, i32) {
    %c0_i32 = arith.constant 0 : i32
    %c0_i32_0 = arith.constant 0 : i32
    return %arg0, %c0_i32 : i32, i32
  }
  func.func @transform_1(%arg0: i32) -> (i32, i32) {
    %c0_i32 = arith.constant 0 : i32
    %c0_i32_0 = arith.constant 0 : i32
    return %arg0, %c0_i32 : i32, i32
  }
  func.func @transform_2(%arg0: i32) -> (i32, i32) {
    %c0_i32 = arith.constant 0 : i32
    %c0_i32_0 = arith.constant 0 : i32
    return %arg0, %c0_i32 : i32, i32
  }
  func.func @transform_3(%arg0: i32) -> (i32, i32) {
    %c0_i32 = arith.constant 0 : i32
    %c0_i32_0 = arith.constant 0 : i32
    return %arg0, %c0_i32 : i32, i32
  }
  func.func @transform_4(%arg0: i32) -> (i32, i32) {
    %c0_i32 = arith.constant 0 : i32
    %c0_i32_0 = arith.constant 0 : i32
    %c0_i32_1 = arith.constant 0 : i32
    return %c0_i32, %c0_i32_0 : i32, i32
  }
  func.func @transform_5(%arg0: i32) -> (i32, i32) {
    %c0_i32 = arith.constant 0 : i32
    %c0_i32_0 = arith.constant 0 : i32
    %c0_i32_1 = arith.constant 0 : i32
    return %c0_i32, %c0_i32_0 : i32, i32
  }
  func.func @transform_6(%arg0: i32) -> (i32, i32) {
    %c0_i32 = arith.constant 0 : i32
    %c0_i32_0 = arith.constant 0 : i32
    %c0_i32_1 = arith.constant 0 : i32
    return %c0_i32, %c0_i32_0 : i32, i32
  }
  func.func @transform_7(%arg0: i32) -> (i32, i32) {
    %c0_i32 = arith.constant 0 : i32
    %c0_i32_0 = arith.constant 0 : i32
    return %arg0, %c0_i32 : i32, i32
  }
  func.func @transform_8(%arg0: i32) -> (i32, i32) {
    %c0_i32 = arith.constant 0 : i32
    %c0_i32_0 = arith.constant 0 : i32
    return %arg0, %c0_i32 : i32, i32
  }
}

module attributes {stable_mosaic.version = 14 : i64} {
  func.func @_tc3_body(%arg0: i32, %arg1: memref<1000x128xf32, #tpu.memory_space<vmem>>, %arg2: memref<1000x128xf32, #tpu.memory_space<vmem>>, %arg3: memref<1000x128xf32, #tpu.memory_space<vmem>>, %arg4: memref<1000x16xf32, #tpu.memory_space<vmem>>, %arg5: memref<128x128xf32, #tpu.memory_space<vmem>>, %arg6: memref<1x128xf32, #tpu.memory_space<vmem>>, %arg7: memref<128x128xf32, #tpu.memory_space<vmem>>, %arg8: memref<1x128xf32, #tpu.memory_space<vmem>>, %arg9: memref<128x2xf32, #tpu.memory_space<vmem>>, %arg10: memref<1x2xf32, #tpu.memory_space<vmem>>, %arg11: memref<1000x2xf32, #tpu.memory_space<vmem>>) attributes {dimension_semantics = [#tpu.dimension_semantics<arbitrary>], iteration_bounds = array<i64: 10>, scalar_prefetch = 0 : i64, scratch_operands = 0 : i64, tpu.core_type = #tpu.core_type<tc>, window_params = [{transform_indices = @transform_0, window_bounds = array<i64: 1000, 128>}, {transform_indices = @transform_1, window_bounds = array<i64: 1000, 128>}, {transform_indices = @transform_2, window_bounds = array<i64: 1000, 128>}, {transform_indices = @transform_3, window_bounds = array<i64: 1000, 16>}, {pipeline_mode = #tpu.pipeline_mode<synchronous>, transform_indices = @transform_4, window_bounds = array<i64: 128, 128>}, {pipeline_mode = #tpu.pipeline_mode<synchronous>, transform_indices = @transform_5, window_bounds = array<i64: 1, 128>}, {pipeline_mode = #tpu.pipeline_mode<synchronous>, transform_indices = @transform_6, window_bounds = array<i64: 128, 128>}, {pipeline_mode = #tpu.pipeline_mode<synchronous>, transform_indices = @transform_7, window_bounds = array<i64: 1, 128>}, {pipeline_mode = #tpu.pipeline_mode<synchronous>, transform_indices = @transform_8, window_bounds = array<i64: 128, 2>}, {pipeline_mode = #tpu.pipeline_mode<synchronous>, transform_indices = @transform_9, window_bounds = array<i64: 1, 2>}, {transform_indices = @transform_10, window_bounds = array<i64: 1000, 2>}]} {
    %get3A = arith.constant 0 : index
    %get3A_0 = arith.constant 0 : index
    %get3A_1 = vector.load %arg4[%get3A, %get3A_0] : memref<1000x16xf32, #tpu.memory_space<vmem>>, vector<1000x1xf32>
    %get3A_2 = arith.constant 0 : index
    %get3A_3 = arith.constant 0 : index
    %get3A_4 = vector.load %arg1[%get3A_2, %get3A_3] : memref<1000x128xf32, #tpu.memory_space<vmem>>, vector<1000x128xf32>
    %get3A_5 = arith.constant 0 : index
    %get3A_6 = arith.constant 0 : index
    %get3A_7 = vector.load %arg5[%get3A_5, %get3A_6] : memref<128x128xf32, #tpu.memory_space<vmem>>, vector<128x128xf32>
    %dot_general3A = arith.constant dense<0.000000e+00> : vector<1000x128xf32>
    %dot_general3A_8 = tpu.matmul %get3A_4, %get3A_7, %dot_general3A {dimension_numbers = #tpu.dot_dimension_numbers<[1], [0], [0], [1], [0, 0, 1, 1], [], []>, transpose_lhs_hint = false} : vector<1000x128xf32>, vector<128x128xf32>, vector<1000x128xf32> -> vector<1000x128xf32>
    %get3A_9 = arith.constant 0 : index
    %get3A_10 = arith.constant 0 : index
    %get3A_11 = vector.load %arg2[%get3A_9, %get3A_10] : memref<1000x128xf32, #tpu.memory_space<vmem>>, vector<1000x128xf32>
    %get3A_12 = arith.constant 0 : index
    %get3A_13 = arith.constant 0 : index
    %get3A_14 = vector.load %arg3[%get3A_12, %get3A_13] : memref<1000x128xf32, #tpu.memory_space<vmem>>, vector<1000x128xf32>
    %add3A = arith.addf %get3A_11, %get3A_14 : vector<1000x128xf32>
    %mul3A = vector.broadcast %get3A_1 : vector<1000x1xf32> to vector<1000x128xf32>
    %mul3A_15 = arith.mulf %mul3A, %add3A : vector<1000x128xf32>
    %add3A_16 = arith.addf %dot_general3A_8, %mul3A_15 : vector<1000x128xf32>
    %get3A_17 = arith.constant 0 : index
    %get3A_18 = arith.constant 0 : index
    %get3A_19 = vector.load %arg6[%get3A_17, %get3A_18] : memref<1x128xf32, #tpu.memory_space<vmem>>, vector<1x128xf32>
    %add3A_20 = vector.broadcast %get3A_19 : vector<1x128xf32> to vector<1000x128xf32>
    %add3A_21 = arith.addf %add3A_16, %add3A_20 : vector<1000x128xf32>
    %get3A_22 = arith.constant 0 : index
    %get3A_23 = arith.constant 0 : index
    %get3A_24 = vector.load %arg7[%get3A_22, %get3A_23] : memref<128x128xf32, #tpu.memory_space<vmem>>, vector<128x128xf32>
    %dot_general3A_25 = arith.constant dense<0.000000e+00> : vector<1000x128xf32>
    %dot_general3A_26 = tpu.matmul %add3A_21, %get3A_24, %dot_general3A_25 {dimension_numbers = #tpu.dot_dimension_numbers<[1], [0], [0], [1], [0, 0, 1, 1], [], []>, transpose_lhs_hint = false} : vector<1000x128xf32>, vector<128x128xf32>, vector<1000x128xf32> -> vector<1000x128xf32>
    %get3A_27 = arith.constant 0 : index
    %get3A_28 = arith.constant 0 : index
    %get3A_29 = vector.load %arg8[%get3A_27, %get3A_28] : memref<1x128xf32, #tpu.memory_space<vmem>>, vector<1x128xf32>
    %add3A_30 = vector.broadcast %get3A_29 : vector<1x128xf32> to vector<1000x128xf32>
    %add3A_31 = arith.addf %dot_general3A_26, %add3A_30 : vector<1000x128xf32>
    %max3A = arith.constant 0.000000e+00 : f32
    %max3A_32 = vector.broadcast %max3A : f32 to vector<1000x128xf32>
    %max3A_33 = arith.maximumf %add3A_31, %max3A_32 : vector<1000x128xf32>
    %get3A_34 = arith.constant 0 : index
    %get3A_35 = arith.constant 0 : index
    %get3A_36 = vector.load %arg9[%get3A_34, %get3A_35] : memref<128x2xf32, #tpu.memory_space<vmem>>, vector<128x2xf32>
    %dot_general3A_37 = arith.constant dense<0.000000e+00> : vector<1000x2xf32>
    %dot_general3A_38 = tpu.matmul %max3A_33, %get3A_36, %dot_general3A_37 {dimension_numbers = #tpu.dot_dimension_numbers<[1], [0], [0], [1], [0, 0, 1, 1], [], []>, transpose_lhs_hint = false} : vector<1000x128xf32>, vector<128x2xf32>, vector<1000x2xf32> -> vector<1000x2xf32>
    %get3A_39 = arith.constant 0 : index
    %get3A_40 = arith.constant 0 : index
    %get3A_41 = vector.load %arg10[%get3A_39, %get3A_40] : memref<1x2xf32, #tpu.memory_space<vmem>>, vector<1x2xf32>
    %add3A_42 = vector.broadcast %get3A_41 : vector<1x2xf32> to vector<1000x2xf32>
    %add3A_43 = arith.addf %dot_general3A_38, %add3A_42 : vector<1000x2xf32>
    %swap3A = arith.constant 0 : index
    %swap3A_44 = arith.constant 0 : index
    %swap3A_45 = vector.load %arg11[%swap3A, %swap3A_44] : memref<1000x2xf32, #tpu.memory_space<vmem>>, vector<1000x2xf32>
    tpu.vector_store %arg11[%swap3A, %swap3A_44], %add3A_43 {strides = array<i32>} : memref<1000x2xf32, #tpu.memory_space<vmem>>, vector<1000x2xf32>,
    return
  }
  func.func @transform_0(%arg0: i32) -> (i32, i32) {
    %c0_i32 = arith.constant 0 : i32
    %c0_i32_0 = arith.constant 0 : i32
    return %arg0, %c0_i32 : i32, i32
  }
  func.func @transform_1(%arg0: i32) -> (i32, i32) {
    %c0_i32 = arith.constant 0 : i32
    %c0_i32_0 = arith.constant 0 : i32
    return %arg0, %c0_i32 : i32, i32
  }
  func.func @transform_2(%arg0: i32) -> (i32, i32) {
    %c0_i32 = arith.constant 0 : i32
    %c0_i32_0 = arith.constant 0 : i32
    return %arg0, %c0_i32 : i32, i32
  }
  func.func @transform_3(%arg0: i32) -> (i32, i32) {
    %c0_i32 = arith.constant 0 : i32
    %c0_i32_0 = arith.constant 0 : i32
    return %arg0, %c0_i32 : i32, i32
  }
  func.func @transform_4(%arg0: i32) -> (i32, i32) {
    %c0_i32 = arith.constant 0 : i32
    %c0_i32_0 = arith.constant 0 : i32
    %c0_i32_1 = arith.constant 0 : i32
    return %c0_i32, %c0_i32_0 : i32, i32
  }
  func.func @transform_5(%arg0: i32) -> (i32, i32) {
    %c0_i32 = arith.constant 0 : i32
    %c0_i32_0 = arith.constant 0 : i32
    %c0_i32_1 = arith.constant 0 : i32
    return %c0_i32, %c0_i32_0 : i32, i32
  }
  func.func @transform_6(%arg0: i32) -> (i32, i32) {
    %c0_i32 = arith.constant 0 : i32
    %c0_i32_0 = arith.constant 0 : i32
    %c0_i32_1 = arith.constant 0 : i32
    return %c0_i32, %c0_i32_0 : i32, i32
  }
  func.func @transform_7(%arg0: i32) -> (i32, i32) {
    %c0_i32 = arith.constant 0 : i32
    %c0_i32_0 = arith.constant 0 : i32
    %c0_i32_1 = arith.constant 0 : i32
    return %c0_i32, %c0_i32_0 : i32, i32
  }
  func.func @transform_8(%arg0: i32) -> (i32, i32) {
    %c0_i32 = arith.constant 0 : i32
    %c0_i32_0 = arith.constant 0 : i32
    %c0_i32_1 = arith.constant 0 : i32
    return %c0_i32, %c0_i32_0 : i32, i32
  }
  func.func @transform_9(%arg0: i32) -> (i32, i32) {
    %c0_i32 = arith.constant 0 : i32
    %c0_i32_0 = arith.constant 0 : i32
    %c0_i32_1 = arith.constant 0 : i32
    return %c0_i32, %c0_i32_0 : i32, i32
  }
  func.func @transform_10(%arg0: i32) -> (i32, i32) {
    %c0_i32 = arith.constant 0 : i32
    %c0_i32_0 = arith.constant 0 : i32
    return %arg0, %c0_i32 : i32, i32
  }
}

</mosaic_0001>

<sc_bundles>
// kernel: kernel.11.cloned.1.call-start
scs
__scs_entry_jumppad:
0x0: {  	(pc) =	sbr.rel $0x88, $3  }
0x1: {  	(tag) =	ssettag $0x0;
	lr =	simm.s32 $0x1  }
0x2: {  	[smem:$0x3F91] =	sst lr;
	_ =	strace $0xD0000000  }
0x3: {  	_ = 	snop  }
0x4: {  	_ = 	snop  }
0x5: {  	_ = 	snop  }
0x6: {  	_ = 	snop  }
0x7: {  	_ = 	snop  }
__scs_overlays_trampoline_lowered:
0x8: {  	[smem:$0x3FA0] =	sst s0  }
0x9: {  	[smem:$0x3FA1] =	sst s1  }
0xa: {  	[smem:$0x3FA2] =	sst s2  }
0xb: {  	[smem:$0x3FA3] =	sst s3  }
0xc: {  	[smem:$0x3FA4] =	sst s4  }
0xd: {  	[smem:$0x3FA5] =	sst s5  }
0xe: {  	[smem:$0x3FA6] =	sst s6  }
0xf: {  	[smem:$0x3FA7] =	sst s7  }
0x10: {  	[smem:$0x3FA8] =	sst s8  }
0x11: {  	[smem:$0x3FA9] =	sst s9;
	s0 =	simm.s32 @!p0 $0x0  }
0x12: {  	s1 =	sld [smem:$0x3F8F];
	s0 =	simm.s32 @p0 $0x1  }
0x13: {  	[smem:$0x3FAA] =	sst s0;
	s0 =	simm.s32 @!p1 $0x0  }
0x14: {  	s2 =	sld [smem:$0x3F8E];
	s0 =	simm.s32 @p1 $0x1  }
0x15: {  	[smem:$0x3FAB] =	sst s0;
	s0 =	simm.s32 @!p2 $0x0  }
0x16: {  	s3 =	sld [smem:$0x3FDB];
	s0 =	simm.s32 @p2 $0x1  }
0x17: {  	s4 =	simm.s32 $0x1BF5;
	[smem:$0x3FAD] =	sst s0  }
0x18: {  	s0 =	sld [smem:$0x3F90];
	_ =	swait.ge [sflag:s4], $0x0  }
0x19: {  	s7 =	sld [smem:$0x3F91]  }
0x1a: {  	s8 =	sadd.s32 $0xFFFFE003, lr  }
0x1b: {  	s9 =	sadd.s32 $0xFFFFFEF7, lr;
	s5 =	simm.s32 $0xFFFFFFFF;
	p2 =	slt.u32 s8, $0xFFFFF086  }
0x1c: {  	p1 =	slt.u32 s9, $0xF7A;
	s5 =	simm.s32 @!p2 $0x0  }
0x1d: {  	s5 =	simm.s32 @p1 $0x1;
	p0 =	seq.s32 s7, s2  }
0x1e: {  	s7 =	smul.u32 @!p0 $0xF7A, s2;
	p2 =	seq.s32 @!p0 s5, $0x0  }
0x1f: {  	s9 =	smul.u32 $0xF7A, s1;
	s8 =	simm.s32 @!p0 $0x1BF5;
	p2 =	por !p2, p0  }
0x20: {  	[sflag:s8] =	ssyncset.s32 @!p0 $0xFFFFF086;
	s6 =	sadd.s32 @!p0 s3, s7;
	s7 =	simm.s32 @!p0 $0x108  }
0x21: {  	s3 =	sadd.s32 s3, s9;
	s6 =	sadd.s32 @!p0 $0x88, s6;
	s7 =	simm.s32 @p2 $0x1082  }
0x22: {  	[simem:s7], [sflag:s8] =	dma.local @!p0 [hbm:s6], $0xF7A  }
0x23: {  	s9 =	sor.u32 $0xD0000000, s2;
	s6 =	simm.s32 $0x108;
	_ =	swait.ge @!p0 [sflag:s8], $0x0  }
0x24: {  	s3 =	sadd.s32 $0x88, s3;
	s6 =	simm.s32 @!p1 $0x1082;
	[sflag:s4] =	ssyncset.s32 $0xFFFFF086  }
0x25: {  	[simem:s6], [sflag:s4] =	dma.local [hbm:s3], $0xF7A  }
0x26: {  	[smem:$0x3F91] =	sst s1;
	(tag) =	ssettag s2;
	_ =	strace s9  }
0x27: {  	s1 =	sld [smem:$0x3FA1]  }
0x28: {  	s2 =	sld [smem:$0x3FA2]  }
0x29: {  	s4 =	sld [smem:$0x3FA4]  }
0x2a: {  	p0 =	seq.s32 s5, $0x0;
	s5 =	sld [smem:$0x3FA5]  }
0x2b: {  	s6 =	sld [smem:$0x3FA6]  }
0x2c: {  	s7 =	sld [smem:$0x3FA7]  }
0x2d: {  	s3 =	simm.s32 $0x108;
	s8 =	sld [smem:$0x3FA8]  }
0x2e: {  	s3 =	simm.s32 @!p0 $0x1082;
	s9 =	sld [smem:$0x3FA9]  }
0x2f: {  	lr =	sadd.s32 s0, s3;
	s0 =	sld [smem:$0x3FA0]  }
0x30: {  	s3 =	sld [smem:$0x3FA3]  }
0x31: {  	[smem:$0x3FAC] =	sst s10  }
0x32: {  	s10 =	sld [smem:$0x3FAA];
	_ =	sdelay $0x3  }
0x33: {  	p0 =	seq.s32 s10, $0x1;
	s10 =	sld [smem:$0x3FAC];
	_ =	sdelay $0x3  }
0x34: {  	[smem:$0x3FAC] =	sst s10  }
0x35: {  	s10 =	sld [smem:$0x3FAB];
	_ =	sdelay $0x3  }
0x36: {  	p1 =	seq.s32 s10, $0x1;
	s10 =	sld [smem:$0x3FAC];
	_ =	sdelay $0x3  }
0x37: {  	[smem:$0x3FAC] =	sst s10  }
0x38: {  	s10 =	sld [smem:$0x3FAD]  }
0x39: {  	_ = 	snop;
	(pc) =	sbr.ind lr, $3  }
0x3a: {  	_ = 	snop  }
0x3b: {  	_ = 	snop  }
0x3c: {  	p2 =	seq.s32 s10, $0x1;
	s10 =	sld [smem:$0x3FAC]  }
0x3d: {  	_ =	shalt  }
0x3e: {  	_ =	shalt  }
0x3f: {  	_ =	shalt  }
0x40: {  	_ =	shalt  }
0x41: {  	_ =	shalt  }
0x42: {  	_ =	shalt  }
0x43: {  	_ =	shalt  }
0x44: {  	_ =	shalt  }
0x45: {  	_ =	shalt  }
0x46: {  	_ =	shalt  }
0x47: {  	_ =	shalt  }
0x48: {  	_ =	shalt  }
0x49: {  	_ =	shalt  }
0x4a: {  	_ =	shalt  }
0x4b: {  	_ =	shalt  }
0x4c: {  	_ =	shalt  }
0x4d: {  	_ =	shalt  }
0x4e: {  	_ =	shalt  }
0x4f: {  	_ =	shalt  }
0x50: {  	_ =	shalt  }
0x51: {  	_ =	shalt  }
0x52: {  	_ =	shalt  }
0x53: {  	_ =	shalt  }
0x54: {  	_ =	shalt  }
0x55: {  	_ =	shalt  }
0x56: {  	_ =	shalt  }
0x57: {  	_ =	shalt  }
0x58: {  	_ =	shalt  }
0x59: {  	_ =	shalt  }
0x5a: {  	_ =	shalt  }
0x5b: {  	_ =	shalt  }
0x5c: {  	_ =	shalt  }
0x5d: {  	_ =	shalt  }
0x5e: {  	_ =	shalt  }
0x5f: {  	_ =	shalt  }
0x60: {  	_ =	shalt  }
0x61: {  	_ =	shalt  }
0x62: {  	_ =	shalt  }
0x63: {  	_ =	shalt  }
0x64: {  	_ =	shalt  }
0x65: {  	_ =	shalt  }
0x66: {  	_ =	shalt  }
0x67: {  	_ =	shalt  }
0x68: {  	_ =	shalt  }
0x69: {  	_ =	shalt  }
0x6a: {  	_ =	shalt  }
0x6b: {  	_ =	shalt  }
0x6c: {  	_ =	shalt  }
0x6d: {  	_ =	shalt  }
0x6e: {  	_ =	shalt  }
0x6f: {  	_ =	shalt  }
0x70: {  	_ =	shalt  }
0x71: {  	_ =	shalt  }
0x72: {  	_ =	shalt  }
0x73: {  	_ =	shalt  }
0x74: {  	_ =	shalt  }
0x75: {  	_ =	shalt  }
0x76: {  	_ =	shalt  }
0x77: {  	_ =	shalt  }
0x78: {  	_ =	shalt  }
0x79: {  	_ =	shalt  }
0x7a: {  	_ =	shalt  }
0x7b: {  	_ =	shalt  }
0x7c: {  	_ =	shalt  }
0x7d: {  	_ =	shalt  }
0x7e: {  	_ =	shalt  }
0x7f: {  	_ =	shalt  }
0x80: {  	_ =	shalt  }
0x81: {  	_ =	shalt  }
0x82: {  	_ =	shalt  }
0x83: {  	_ =	shalt  }
0x84: {  	_ =	shalt  }
0x85: {  	_ =	shalt  }
0x86: {  	_ =	shalt  }
0x87: {  	_ =	shalt  }
.Lfunc_end0:
.L_simem_size_0:
called_computation.1_lowered:
.L_overlay_start_0:
0x88: {  	s2 =	sld [smem:$0x3FD9]  }
0x89: {  	s3 =	sld [smem:$0x3FFE];
	_ =	sdelay $0x1  }
0x8a: {  	s1 =	srdreg.scid  }
0x8b: {  	s0 =	sand.u32 $0x1, s1  }
0x8c: {  	s16 =	sshll.u32 s0, $0xA;
	s2 =	sadd.s32 s3, s2  }
0x8d: {  	s2 =	sadd.s32 s2, s16  }
0x8e: {  	[smem:$0x3FB8] =	sst s2  }
0x8f: {  	_ = 	snop  }
0x90: {  	(tm) =	ssettm $0x1  }
0x91: {  	s17 =	sld [smem:$0x3FFB];
	_ =	sdelay $0x3  }
0x92: {  	_ =	strace s17  }
0x93: {  	s2 =	sld [smem:$0x3FFC];
	_ =	sdelay $0x3  }
0x94: {  	_ =	strace s2  }
0x95: {  	s2 =	sld [smem:$0x3FFD];
	_ =	sdelay $0x3  }
0x96: {  	_ =	strace s2  }
0x97: {  	_ =	strace $0x8FFFFFFF  }
0x98: {  	s18 =	sld [smem:$0x3FDB];
	_ =	sdelay $0x1  }
0x99: {  	s19 =	simm.s32 $_scs_section_size  }
0x9a: {  	s4 =	simm.s32 $_size__tile_overlayer_lowered;
	s5 =	simm.s32 $_tile_overlayer_lowered  }
0x9b: {  	s22 =	simm.s32 $0x1BFF;
	s21 =	sshll.u32 s5, $0x1;
	s2 =	sadd.s32 s19, s18  }
0x9c: {  	s6 =	simm.s32 $0x0;
	s20 =	sshll.u32 s4, $0x1;
	s4 =	sadd.s32 s21, s2  }
0x9d: {  	[timem:s6], [sflag:s22] =	dma.local [hbm:s4], s20  }
0x9e: {  	_ =	swait.ge [sflag:s22], s20  }
0x9f: {  	s3 =	ssub.s32 $0x0, s20;
	[sflag:s22] =	ssyncset.done $0x0  }
0xa0: {  	[sflag:s22] =	ssyncadd.s32 s3;
	_ =	sdelay $0x1  }
0xa1: {  	s23 =	simm.s32 $0x1B8B  }
0xa2: {  	_ =	swait.ge [sflag:s23], $0x1  }
0xa3: {  	[sflag:s23] =	ssyncset.done $0x0  }
0xa4: {  	s25 =	simm.s32 $0x1B8E;
	s24 =	sld [smem:$0x3FFE];
	[sflag:s23] =	ssyncadd.s32 $0xFFFFFFFF  }
0xa5: {  	s26 =	simm.s32 $execute0_lowered;
	[smem:$0x3FD2] =	sst s25  }
0xa6: {  	s4 =	sshll.u32 s26, $0x1;
	_ =	strace $0x80000049;
	[dreg:$0x1] =	wrdreg $0xFFFFFFFF  }
0xa7: {  	s28 =	simm.s32 $_size_execute0_lowered;
	s2 =	sadd.s32 s2, s4;
	[dreg:$0x0] =	wrdreg $0x0  }
0xa8: {  	s4 =	sshll.u32 s28, $0x1;
	[dreg:$0x2] =	wrdreg s2  }
0xa9: {  	[dreg:$0x3] =	wrdreg s4  }
0xaa: {  	[dreg:$0x4] =	wrdreg $0xC0  }
0xab: {  	_ =	task [dreg:s6], $0x5FFFF  }
0xac: {  	[dreg:$0x1] =	wrdreg $0xFFFFFFFF  }
0xad: {  	[dreg:$0x0] =	wrdreg $0x60  }
0xae: {  	[dreg:$0x2] =	wrdreg s24  }
0xaf: {  	[dreg:$0x3] =	wrdreg $0x90000  }
0xb0: {  	[dreg:$0x4] =	wrdreg $0x9  }
0xb1: {  	_ =	task.clear_ibuf [dreg:s6], $0x5FFFF;
	_ =	strace $0x90000049  }
0xb2: {  	s29 =	simm.s32 $0x9;
	_ =	strace $0x8000004B  }
0xb3: {  	_ =	swait.ge [sflag:s29], $0x1  }
0xb4: {  	[sflag:s29] =	ssyncadd.s32 $0xFFFFFFFF  }
0xb5: {  	_ =	strace $0x9000004B  }
0xb6: {  	_ =	sfence  }
0xb7: {  	s30 =	sld [smem:$0x0];
	_ =	sdelay $0x2  }
0xb8: {  	s31 =	sshll.u32 s1, $0xD;
	s1 =	sshrl.u32 s1, $0x2  }
0xb9: {  	s3 =	sand.u32 $0x4000, s31;
	s1 =	sadd.s32 s1, s30  }
0xba: {  	s0 =	sor.u32 s3, s0;
	s1 =	sshll.u32 s1, $0x11  }
0xbb: {  	s0 =	sor.u32 s1, s0  }
0xbc: {  	s0 =	sadd.s32 $0x8F2B, s0  }
0xbd: {  	[sflag:s0] =	ssyncadd.remote.s32 $0x1  }
0xbe: {  	_ =	sfence.sel $0xFFFF  }
0xbf: {  	[dreg:$0x0] =	wrdreg $0xFFFFFFFF;
	(pc) =	sbr.abs _section_cstart, $3  }
0xc0: {  	[dreg:$0x1] =	wrdreg $0xFFFFFFFF  }
0xc1: {  	_ =	task.clear_ibuf [dreg:s6], $0x2FFFF;
	_ =	strace $0x9FFFFFFF  }
0xc2: {  	(tm) =	ssettm $0x7FFFFFFF  }
0xc3: {  	_ =	shalt  }
tec
execute0_lowered:
.L_overlay_start_1:
0x0: {  	(tag) =	ssettag $0x1  }
0x1: {  	s0 =	srdreg.scid  }
0x2: {  	s5 =	rddreg [dreg:$0x0];
	s1 =	stileid.u32  }
0x3: {  	s2 =	rddreg [dreg:$0x1];
	s3 =	simm.s32 $0x0;
	s18 =	simm.s32 $0x80  }
0x4: {  	s19 =	simm.s32 $0x1;
	s6 =	sand.u32 $0x1, s0;
	s8 =	smul.u32 $0x4E400, s1  }
0x5: {  	[smem:$0x7FF] =	sst s3;
	s13 =	sadd.s32 $0x6FC00, s5;
	s15 =	smul.u32 $0x13800, s1  }
0x6: {  	s16 =	smul.u32 $0x4E000, s1;
	s21 =	sadd.s32 $0x138000, s2;
	p0 =	sne.s32 s1, $0x0  }
0x7: {  	s0 =	sshll.u32 s6, $0x4;
	s28 =	ssub.s32 $0x2, s6;
	s12 =	smul.u32 $0x138800, s6  }
0x8: {  	s21 =	sshrl.u32 @!p0 s21, $0x3;
	s4 =	sor.u32 s1, s0;
	s0 =	rddreg [dreg:$0x2]  }
0x9: {  	_ =	strace $0x8000004A;
	s29 =	sshrl.u32 s8, $0x2;
	s30 =	sshrl.u32 s28, $0x1  }
0xa: {  	s31 =	sshrl.u32 s16, $0x2;
	s16 =	simm.s32 $0x2;
	s7 =	smul.u32 $0x500, s4  }
0xb: {  	s4 =	sadd.s32 $0x3A00, s5;
	s14 =	ssub.s32 s28, s30;
	s15 =	sadd.s32 s15, s12  }
0xc: {  	s17 =	sshrl.u32 s12, $0x3;
	s20 =	sadd.s32 s31, s2;
	s15 =	sshrl.u32 s15, $0x3  }
0xd: {  	s14 =	smax.u32 s14, $0x1;
	s20 =	sshrl.u32 s20, $0x3;
	s11 =	sadd.s32 s7, s5  }
0xe: {  	s5 =	sadd.s32 s29, s2;
	s12 =	sadd.s32 s13, s15;
	s13 =	sadd.s32 s13, s17  }
0xf: {  	s15 =	simm.s32 $0x5000;
	s17 =	simm.s32 $0x2800;
	s6 =	sadd.s32 $0x4000, s5  }
0x10: {  	s7 =	sadd.s32 $0x8000, s5;
	s8 =	sadd.s32 $0xC000, s5;
	s9 =	sadd.s32 $0x10000, s5  }
0x11: {  	v0 =	vimm.f32 $0.0e+00;
	s10 =	sadd.s32 $0x65C00, s11;
	s11 =	sadd.s32 $0x5BC00, s11;
	s13 =	sadd.s32 $0x27000, s13  }
.LBB2_1:
0x12: {  	s22 =	simm.s32 $0x0;
	s23 =	simm.s32 $0x200  }
.LBB2_2:
0x13: {  	p1 =	sne.s32 s23, $0xFE00;
	[tilespmem:s22+$0x5070] =	vst v0  }
0x14: {  	[tilespmem:s22+$0x5000] =	vst v0  }
0x15: {  	[tilespmem:s22+$0x5010] =	vst v0  }
.Ltmp0:
0x16: {  	[tilespmem:s22+$0x5020] =	vst v0;
	(pc) =	sbr.rel @p1 .LBB2_2-.Ltmp0, $4  }
0x17: {  	[tilespmem:s22+$0x5030] =	vst v0  }
0x18: {  	[tilespmem:s22+$0x5040] =	vst v0  }
0x19: {  	[tilespmem:s22+$0x5050] =	vst v0  }
0x1a: {  	[tilespmem:s22+$0x5060] =	vst v0;
	s22 =	sshra.s32 s23, $0x2;
	s23 =	sadd.s32 $0x200, s23  }
0x1b: {  	[tilespmem:s22+$0x5070] =	vst v0  }
0x1c: {  	[tilespmem:s22+$0x5000] =	vst v0  }
0x1d: {  	[tilespmem:s22+$0x5010] =	vst v0  }
0x1e: {  	[tilespmem:s22+$0x5020] =	vst v0  }
0x1f: {  	[tilespmem:s22+$0x5030] =	vst v0  }
0x20: {  	[tilespmem:s22+$0x5040] =	vst v0  }
0x21: {  	[tilespmem:s22+$0x5050] =	vst v0  }
0x22: {  	[tilespmem:s22+$0x5060] =	vst v0  }
0x23: {  	[spmem:s5] =	stream.linear.scatter [tilespmem:s15], [sflag:$0x2], $0x4000, $0x38;
	[tilespmem:$0x1C900] =	vst v63  }
0x24: {  	_ =	swait.ge [sflag:s16], $0x4000  }
0x25: {  	[sflag:s16] =	ssyncset.done $0x0  }
0x26: {  	[sflag:s16] =	ssyncadd.s32 $0xFFFFC000  }
0x27: {  	[spmem:s6] =	stream.linear.scatter [tilespmem:s15], [sflag:$0x2], $0x4000, $0x38;
	[tilespmem:$0x1C900] =	vst v63  }
0x28: {  	_ =	swait.ge [sflag:s16], $0x4000  }
0x29: {  	[sflag:s16] =	ssyncset.done $0x0  }
0x2a: {  	[sflag:s16] =	ssyncadd.s32 $0xFFFFC000  }
0x2b: {  	[spmem:s7] =	stream.linear.scatter [tilespmem:s15], [sflag:$0x2], $0x4000, $0x38;
	[tilespmem:$0x1C900] =	vst v63  }
0x2c: {  	_ =	swait.ge [sflag:s16], $0x4000  }
0x2d: {  	[sflag:s16] =	ssyncset.done $0x0  }
0x2e: {  	[sflag:s16] =	ssyncadd.s32 $0xFFFFC000  }
0x2f: {  	[spmem:s8] =	stream.linear.scatter [tilespmem:s15], [sflag:$0x2], $0x4000, $0x38;
	[tilespmem:$0x1C900] =	vst v63  }
0x30: {  	_ =	swait.ge [sflag:s16], $0x4000  }
0x31: {  	[sflag:s16] =	ssyncset.done $0x0  }
0x32: {  	[sflag:s16] =	ssyncadd.s32 $0xFFFFC000  }
0x33: {  	[spmem:s9] =	stream.linear.scatter [tilespmem:s15], [sflag:$0x2], $0x3900, $0x38;
	[tilespmem:$0x1C900] =	vst v63  }
0x34: {  	_ =	swait.ge [sflag:s16], $0x3900  }
0x35: {  	[sflag:s16] =	ssyncset.done $0x0  }
0x36: {  	[sflag:s16] =	ssyncadd.s32 $0xFFFFC700  }
0x37: {  	s29 =	simm.s32 $0x0;
	[bflag:$0x0] =	sbarrier.arrive $0xFFFF  }
0x38: {  	[tilespmem:s29], [sflag:$0x2] =	stream.linear.gather [hbm4b:s10+s29], $0x2780, $0x38;
	[tilespmem:$0x1C900] =	vst v63  }
0x39: {  	_ =	swait.ge [sflag:s16], $0x2780  }
0x3a: {  	[sflag:s16] =	ssyncset.done $0x0  }
0x3b: {  	[sflag:s16] =	ssyncadd.s32 $0xFFFFD880  }
0x3c: {  	[tilespmem:s17], [sflag:$0x2] =	stream.linear.gather [hbm4b:s11+s29], $0x2780, $0x38;
	[tilespmem:$0x1C900] =	vst v63  }
0x3d: {  	_ =	swait.ge [sflag:s16], $0x2780  }
0x3e: {  	[sflag:s16] =	ssyncset.done $0x0  }
0x3f: {  	s30 =	simm.s32 $0x0;
	[sflag:s16] =	ssyncadd.s32 $0xFFFFD880  }
0x40: {  	[tilespmem:s15], [sflag:$0x1] =	stream.indirect.gather [hbm4b:s4+s18], $0x80, s30, s18, $0xb8;
	[tilespmem:$0x1C900] =	vst v63  }
0x41: {  	_ =	swait.ge [sflag:s19], $0x4000  }
0x42: {  	[sflag:s19] =	ssyncset.done $0x0  }
0x43: {  	s31 =	simm.s32 $0x2800;
	[sflag:s19] =	ssyncadd.s32 $0xFFFFC000  }
0x44: {  	[spmem:s2] =	stream.indirect.scatter.add.f32 [tilespmem:s15], [sflag:$0x2], $0x80, s31, s18, $0xb8;
	[tilespmem:$0x1C900] =	vst v63  }
0x45: {  	_ =	swait.ge [sflag:s16], $0x4000  }
0x46: {  	s22 =	simm.s32 $0x200;
	s23 =	simm.s32 $0x400;
	[sflag:s16] =	ssyncset.done $0x0  }
.LBB2_4:
0x47: {  	s24 =	sshra.s32 s22, $0x2  }
0x48: {  	[sflag:s16] =	ssyncadd.s32 $0xFFFFC000;
	s22 =	smov.u32 s23;
	s25 =	sadd.s32 $0x200, s23  }
0x49: {  	[tilespmem:s15], [sflag:$0x1] =	stream.indirect.gather [hbm4b:s4+s18], $0x80, s24, s18, $0xb8;
	[tilespmem:$0x1C900] =	vst v63  }
0x4a: {  	p1 =	sne.s32 s23, $0x9C00;
	_ =	swait.ge [sflag:s19], $0x4000  }
.Ltmp1:
0x4b: {  	[sflag:s19] =	ssyncset.done $0x0;
	(pc) =	sbr.rel @p1 .LBB2_4-.Ltmp1, $4  }
0x4c: {  	s23 =	sadd.s32 $0x2800, s24;
	[sflag:s19] =	ssyncadd.s32 $0xFFFFC000  }
0x4d: {  	[spmem:s2] =	stream.indirect.scatter.add.f32 [tilespmem:s15], [sflag:$0x2], $0x80, s23, s18, $0xb8;
	[tilespmem:$0x1C900] =	vst v63  }
0x4e: {  	_ =	swait.ge [sflag:s16], $0x4000  }
0x4f: {  	s23 =	smov.u32 s25;
	[sflag:s16] =	ssyncset.done $0x0  }
0x50: {  	s22 =	sshra.s32 s22, $0x2;
	[sflag:s16] =	ssyncadd.s32 $0xFFFFC000  }
0x51: {  	[tilespmem:s15], [sflag:$0x1] =	stream.indirect.gather [hbm4b:s4+s18], $0x80, s22, s18, $0xb8;
	[tilespmem:$0x1C900] =	vst v63  }
0x52: {  	_ =	swait.ge [sflag:s19], $0x4000  }
0x53: {  	[sflag:s19] =	ssyncset.done $0x0  }
0x54: {  	s22 =	sadd.s32 $0x2800, s22;
	[sflag:s19] =	ssyncadd.s32 $0xFFFFC000  }
0x55: {  	[spmem:s2] =	stream.indirect.scatter.add.f32 [tilespmem:s15], [sflag:$0x2], $0x80, s22, s18, $0xb8;
	[tilespmem:$0x1C900] =	vst v63  }
0x56: {  	_ =	swait.ge [sflag:s16], $0x4000  }
0x57: {  	[sflag:s16] =	ssyncset.done $0x0  }
0x58: {  	s31 =	sshll.u32 s1, $0x6;
	[sflag:s16] =	ssyncadd.s32 $0xFFFFC000  }
0x59: {  	s22 =	sor.u32 $0x1C02, s31;
	[bflag:$0x0] =	sbarrier.arrive $0xFFFF  }
0x5a: {  	[hbm:s12], [sflag:s22] =	dma.local [spmem:s20], $0x2700  }
0x5b: {  	_ =	swait.ge [sflag:s16], $0x2700  }
0x5c: {  	s3 =	sadd.s32 $0x1, s3;
	[sflag:s16] =	ssyncset.done $0x0  }
0x5d: {  	p1 =	sne.s32 s3, s14;
	[sflag:s16] =	ssyncadd.s32 $0xFFFFD900  }
0x5e: {  	[hbm:s13], [sflag:s22] =	dma.local @!p0 [spmem:s21], $0x100  }
.Ltmp2:
0x5f: {  	_ = 	snop;
	(pc) =	sbr.rel @p1 .LBB2_1-.Ltmp2, $4  }
0x60: {  	s22 =	simm.s32 @!p0 $0x2  }
0x61: {  	_ =	swait.ge @!p0 [sflag:s22], $0x100  }
0x62: {  	[sflag:s22] =	ssyncset.done @!p0 $0x0  }
0x63: {  	[sflag:s22] =	ssyncadd.s32 @!p0 $0xFFFFFF00  }
0x64: {  	_ =	sfence.sel $0x180000  }
0x65: {  	[bflag:$0x0] =	sbarrier.arrive $0xFFFF  }
0x66: {  	_ =	strace $0x9000004A  }
0x67: {  	s0 =	sadd.s32 @!p0 $0x100000, s0;
	[bflag:$0x2] =	sbarrier.arrive $0xFFFF  }
0x68: {  	[sflag:s0] =	ssyncadd.tile.s32 @!p0 $0x1;
	_ =	shalt  }
.Lfunc_end2:
_tile_overlayer_lowered:
.L_overlay_start_2:
0x69: {  	(tag) =	ssettag $0x2  }
0x6a: {  	s0 =	rddreg [dreg:$0x0];
	s2 =	stileid.u32  }
0x6b: {  	s1 =	rddreg [dreg:$0x1];
	p0 =	sne.s32 s2, $0x0  }
0x6c: {  	s3 =	rddreg [dreg:$0x2];
	[bflag:$0x3] =	sbarrier.arrive $0xFFFF;
	s2 =	simm.s32 @!p0 $0x1C02  }
0x6d: {  	[timem:s3], [sflag:s2] =	dma.local @!p0 [hbm:s0], s1  }
0x6e: {  	s0 =	simm.s32 @!p0 $0x2  }
0x6f: {  	_ =	swait.ge @!p0 [sflag:s0], s1  }
0x70: {  	s1 =	ssub.s32 @!p0 $0x0, s1;
	[sflag:s0] =	ssyncset.done @!p0 $0x0  }
0x71: {  	[sflag:s0] =	ssyncadd.s32 @!p0 s1  }
0x72: {  	[bflag:$0x3] =	sbarrier.arrive $0xFFFF  }
0x73: {  	_ =	shalt  }

// kernel: kernel.14.cloned.1.call-start
scs
__scs_entry_jumppad:
0x0: {  	(pc) =	sbr.rel $0x88, $3  }
0x1: {  	(tag) =	ssettag $0x0;
	lr =	simm.s32 $0x1  }
0x2: {  	[smem:$0x3F91] =	sst lr;
	_ =	strace $0xD0000000  }
0x3: {  	_ = 	snop  }
0x4: {  	_ = 	snop  }
0x5: {  	_ = 	snop  }
0x6: {  	_ = 	snop  }
0x7: {  	_ = 	snop  }
__scs_overlays_trampoline_lowered:
0x8: {  	[smem:$0x3FA0] =	sst s0  }
0x9: {  	[smem:$0x3FA1] =	sst s1  }
0xa: {  	[smem:$0x3FA2] =	sst s2  }
0xb: {  	[smem:$0x3FA3] =	sst s3  }
0xc: {  	[smem:$0x3FA4] =	sst s4  }
0xd: {  	[smem:$0x3FA5] =	sst s5  }
0xe: {  	[smem:$0x3FA6] =	sst s6  }
0xf: {  	[smem:$0x3FA7] =	sst s7  }
0x10: {  	[smem:$0x3FA8] =	sst s8  }
0x11: {  	[smem:$0x3FA9] =	sst s9;
	s0 =	simm.s32 @!p0 $0x0  }
0x12: {  	s1 =	sld [smem:$0x3F8F];
	s0 =	simm.s32 @p0 $0x1  }
0x13: {  	[smem:$0x3FAA] =	sst s0;
	s0 =	simm.s32 @!p1 $0x0  }
0x14: {  	s2 =	sld [smem:$0x3F8E];
	s0 =	simm.s32 @p1 $0x1  }
0x15: {  	[smem:$0x3FAB] =	sst s0;
	s0 =	simm.s32 @!p2 $0x0  }
0x16: {  	s3 =	sld [smem:$0x3FDB];
	s0 =	simm.s32 @p2 $0x1  }
0x17: {  	s4 =	simm.s32 $0x1BF5;
	[smem:$0x3FAD] =	sst s0  }
0x18: {  	s0 =	sld [smem:$0x3F90];
	_ =	swait.ge [sflag:s4], $0x0  }
0x19: {  	s7 =	sld [smem:$0x3F91]  }
0x1a: {  	s8 =	sadd.s32 $0xFFFFE003, lr  }
0x1b: {  	s9 =	sadd.s32 $0xFFFFFEF7, lr;
	s5 =	simm.s32 $0xFFFFFFFF;
	p2 =	slt.u32 s8, $0xFFFFF086  }
0x1c: {  	p1 =	slt.u32 s9, $0xF7A;
	s5 =	simm.s32 @!p2 $0x0  }
0x1d: {  	s5 =	simm.s32 @p1 $0x1;
	p0 =	seq.s32 s7, s2  }
0x1e: {  	s7 =	smul.u32 @!p0 $0xF7A, s2;
	p2 =	seq.s32 @!p0 s5, $0x0  }
0x1f: {  	s9 =	smul.u32 $0xF7A, s1;
	s8 =	simm.s32 @!p0 $0x1BF5;
	p2 =	por !p2, p0  }
0x20: {  	[sflag:s8] =	ssyncset.s32 @!p0 $0xFFFFF086;
	s6 =	sadd.s32 @!p0 s3, s7;
	s7 =	simm.s32 @!p0 $0x108  }
0x21: {  	s3 =	sadd.s32 s3, s9;
	s6 =	sadd.s32 @!p0 $0x88, s6;
	s7 =	simm.s32 @p2 $0x1082  }
0x22: {  	[simem:s7], [sflag:s8] =	dma.local @!p0 [hbm:s6], $0xF7A  }
0x23: {  	s9 =	sor.u32 $0xD0000000, s2;
	s6 =	simm.s32 $0x108;
	_ =	swait.ge @!p0 [sflag:s8], $0x0  }
0x24: {  	s3 =	sadd.s32 $0x88, s3;
	s6 =	simm.s32 @!p1 $0x1082;
	[sflag:s4] =	ssyncset.s32 $0xFFFFF086  }
0x25: {  	[simem:s6], [sflag:s4] =	dma.local [hbm:s3], $0xF7A  }
0x26: {  	[smem:$0x3F91] =	sst s1;
	(tag) =	ssettag s2;
	_ =	strace s9  }
0x27: {  	s1 =	sld [smem:$0x3FA1]  }
0x28: {  	s2 =	sld [smem:$0x3FA2]  }
0x29: {  	s4 =	sld [smem:$0x3FA4]  }
0x2a: {  	p0 =	seq.s32 s5, $0x0;
	s5 =	sld [smem:$0x3FA5]  }
0x2b: {  	s6 =	sld [smem:$0x3FA6]  }
0x2c: {  	s7 =	sld [smem:$0x3FA7]  }
0x2d: {  	s3 =	simm.s32 $0x108;
	s8 =	sld [smem:$0x3FA8]  }
0x2e: {  	s3 =	simm.s32 @!p0 $0x1082;
	s9 =	sld [smem:$0x3FA9]  }
0x2f: {  	lr =	sadd.s32 s0, s3;
	s0 =	sld [smem:$0x3FA0]  }
0x30: {  	s3 =	sld [smem:$0x3FA3]  }
0x31: {  	[smem:$0x3FAC] =	sst s10  }
0x32: {  	s10 =	sld [smem:$0x3FAA];
	_ =	sdelay $0x3  }
0x33: {  	p0 =	seq.s32 s10, $0x1;
	s10 =	sld [smem:$0x3FAC];
	_ =	sdelay $0x3  }
0x34: {  	[smem:$0x3FAC] =	sst s10  }
0x35: {  	s10 =	sld [smem:$0x3FAB];
	_ =	sdelay $0x3  }
0x36: {  	p1 =	seq.s32 s10, $0x1;
	s10 =	sld [smem:$0x3FAC];
	_ =	sdelay $0x3  }
0x37: {  	[smem:$0x3FAC] =	sst s10  }
0x38: {  	s10 =	sld [smem:$0x3FAD]  }
0x39: {  	_ = 	snop;
	(pc) =	sbr.ind lr, $3  }
0x3a: {  	_ = 	snop  }
0x3b: {  	_ = 	snop  }
0x3c: {  	p2 =	seq.s32 s10, $0x1;
	s10 =	sld [smem:$0x3FAC]  }
0x3d: {  	_ =	shalt  }
0x3e: {  	_ =	shalt  }
0x3f: {  	_ =	shalt  }
0x40: {  	_ =	shalt  }
0x41: {  	_ =	shalt  }
0x42: {  	_ =	shalt  }
0x43: {  	_ =	shalt  }
0x44: {  	_ =	shalt  }
0x45: {  	_ =	shalt  }
0x46: {  	_ =	shalt  }
0x47: {  	_ =	shalt  }
0x48: {  	_ =	shalt  }
0x49: {  	_ =	shalt  }
0x4a: {  	_ =	shalt  }
0x4b: {  	_ =	shalt  }
0x4c: {  	_ =	shalt  }
0x4d: {  	_ =	shalt  }
0x4e: {  	_ =	shalt  }
0x4f: {  	_ =	shalt  }
0x50: {  	_ =	shalt  }
0x51: {  	_ =	shalt  }
0x52: {  	_ =	shalt  }
0x53: {  	_ =	shalt  }
0x54: {  	_ =	shalt  }
0x55: {  	_ =	shalt  }
0x56: {  	_ =	shalt  }
0x57: {  	_ =	shalt  }
0x58: {  	_ =	shalt  }
0x59: {  	_ =	shalt  }
0x5a: {  	_ =	shalt  }
0x5b: {  	_ =	shalt  }
0x5c: {  	_ =	shalt  }
0x5d: {  	_ =	shalt  }
0x5e: {  	_ =	shalt  }
0x5f: {  	_ =	shalt  }
0x60: {  	_ =	shalt  }
0x61: {  	_ =	shalt  }
0x62: {  	_ =	shalt  }
0x63: {  	_ =	shalt  }
0x64: {  	_ =	shalt  }
0x65: {  	_ =	shalt  }
0x66: {  	_ =	shalt  }
0x67: {  	_ =	shalt  }
0x68: {  	_ =	shalt  }
0x69: {  	_ =	shalt  }
0x6a: {  	_ =	shalt  }
0x6b: {  	_ =	shalt  }
0x6c: {  	_ =	shalt  }
0x6d: {  	_ =	shalt  }
0x6e: {  	_ =	shalt  }
0x6f: {  	_ =	shalt  }
0x70: {  	_ =	shalt  }
0x71: {  	_ =	shalt  }
0x72: {  	_ =	shalt  }
0x73: {  	_ =	shalt  }
0x74: {  	_ =	shalt  }
0x75: {  	_ =	shalt  }
0x76: {  	_ =	shalt  }
0x77: {  	_ =	shalt  }
0x78: {  	_ =	shalt  }
0x79: {  	_ =	shalt  }
0x7a: {  	_ =	shalt  }
0x7b: {  	_ =	shalt  }
0x7c: {  	_ =	shalt  }
0x7d: {  	_ =	shalt  }
0x7e: {  	_ =	shalt  }
0x7f: {  	_ =	shalt  }
0x80: {  	_ =	shalt  }
0x81: {  	_ =	shalt  }
0x82: {  	_ =	shalt  }
0x83: {  	_ =	shalt  }
0x84: {  	_ =	shalt  }
0x85: {  	_ =	shalt  }
0x86: {  	_ =	shalt  }
0x87: {  	_ =	shalt  }
.Lfunc_end0:
.L_simem_size_0:
called_computation.2_lowered:
.L_overlay_start_0:
0x88: {  	s2 =	sld [smem:$0x3FD9]  }
0x89: {  	s3 =	sld [smem:$0x3FFE];
	_ =	sdelay $0x1  }
0x8a: {  	s1 =	srdreg.scid  }
0x8b: {  	s0 =	sand.u32 $0x1, s1  }
0x8c: {  	s16 =	sshll.u32 s0, $0xA;
	s2 =	sadd.s32 s3, s2  }
0x8d: {  	s2 =	sadd.s32 s2, s16  }
0x8e: {  	[smem:$0x3FB8] =	sst s2  }
0x8f: {  	_ = 	snop  }
0x90: {  	(tm) =	ssettm $0x1  }
0x91: {  	s17 =	sld [smem:$0x3FFB];
	_ =	sdelay $0x3  }
0x92: {  	_ =	strace s17  }
0x93: {  	s2 =	sld [smem:$0x3FFC];
	_ =	sdelay $0x3  }
0x94: {  	_ =	strace s2  }
0x95: {  	s2 =	sld [smem:$0x3FFD];
	_ =	sdelay $0x3  }
0x96: {  	_ =	strace s2  }
0x97: {  	_ =	strace $0x8FFFFFFF  }
0x98: {  	s18 =	sld [smem:$0x3FDB];
	_ =	sdelay $0x1  }
0x99: {  	s19 =	simm.s32 $_scs_section_size  }
0x9a: {  	s4 =	simm.s32 $_size__tile_overlayer_lowered;
	s5 =	simm.s32 $_tile_overlayer_lowered  }
0x9b: {  	s22 =	simm.s32 $0x1BFF;
	s21 =	sshll.u32 s5, $0x1;
	s2 =	sadd.s32 s19, s18  }
0x9c: {  	s6 =	simm.s32 $0x0;
	s20 =	sshll.u32 s4, $0x1;
	s4 =	sadd.s32 s21, s2  }
0x9d: {  	[timem:s6], [sflag:s22] =	dma.local [hbm:s4], s20  }
0x9e: {  	_ =	swait.ge [sflag:s22], s20  }
0x9f: {  	s3 =	ssub.s32 $0x0, s20;
	[sflag:s22] =	ssyncset.done $0x0  }
0xa0: {  	[sflag:s22] =	ssyncadd.s32 s3;
	_ =	sdelay $0x1  }
0xa1: {  	s23 =	simm.s32 $0x1B8B  }
0xa2: {  	_ =	swait.ge [sflag:s23], $0x1  }
0xa3: {  	[sflag:s23] =	ssyncset.done $0x0  }
0xa4: {  	s25 =	simm.s32 $0x1B8E;
	s24 =	sld [smem:$0x3FFE];
	[sflag:s23] =	ssyncadd.s32 $0xFFFFFFFF  }
0xa5: {  	s26 =	simm.s32 $execute0_lowered;
	[smem:$0x3FD2] =	sst s25  }
0xa6: {  	s4 =	sshll.u32 s26, $0x1;
	_ =	strace $0x8000004C;
	[dreg:$0x1] =	wrdreg $0xFFFFFFFF  }
0xa7: {  	s28 =	simm.s32 $_size_execute0_lowered;
	s2 =	sadd.s32 s2, s4;
	[dreg:$0x0] =	wrdreg $0x0  }
0xa8: {  	s4 =	sshll.u32 s28, $0x1;
	[dreg:$0x2] =	wrdreg s2  }
0xa9: {  	[dreg:$0x3] =	wrdreg s4  }
0xaa: {  	[dreg:$0x4] =	wrdreg $0xC0  }
0xab: {  	_ =	task [dreg:s6], $0x5FFFF  }
0xac: {  	[dreg:$0x1] =	wrdreg $0xFFFFFFFF  }
0xad: {  	[dreg:$0x0] =	wrdreg $0x60  }
0xae: {  	[dreg:$0x2] =	wrdreg s24  }
0xaf: {  	[dreg:$0x3] =	wrdreg $0x90000  }
0xb0: {  	[dreg:$0x4] =	wrdreg $0x9  }
0xb1: {  	_ =	task.clear_ibuf [dreg:s6], $0x5FFFF;
	_ =	strace $0x9000004C  }
0xb2: {  	s29 =	simm.s32 $0x9;
	_ =	strace $0x8000004E  }
0xb3: {  	_ =	swait.ge [sflag:s29], $0x1  }
0xb4: {  	[sflag:s29] =	ssyncadd.s32 $0xFFFFFFFF  }
0xb5: {  	_ =	strace $0x9000004E  }
0xb6: {  	_ =	sfence  }
0xb7: {  	s30 =	sld [smem:$0x0];
	_ =	sdelay $0x2  }
0xb8: {  	s31 =	sshll.u32 s1, $0xD;
	s1 =	sshrl.u32 s1, $0x2  }
0xb9: {  	s3 =	sand.u32 $0x4000, s31;
	s1 =	sadd.s32 s1, s30  }
0xba: {  	s0 =	sor.u32 s3, s0;
	s1 =	sshll.u32 s1, $0x11  }
0xbb: {  	s0 =	sor.u32 s1, s0  }
0xbc: {  	s0 =	sadd.s32 $0x8F2B, s0  }
0xbd: {  	[sflag:s0] =	ssyncadd.remote.s32 $0x1  }
0xbe: {  	_ =	sfence.sel $0xFFFF  }
0xbf: {  	[dreg:$0x0] =	wrdreg $0xFFFFFFFF;
	(pc) =	sbr.abs _section_cstart, $3  }
0xc0: {  	[dreg:$0x1] =	wrdreg $0xFFFFFFFF  }
0xc1: {  	_ =	task.clear_ibuf [dreg:s6], $0x2FFFF;
	_ =	strace $0x9FFFFFFF  }
0xc2: {  	(tm) =	ssettm $0x7FFFFFFF  }
0xc3: {  	_ =	shalt  }
tec
execute0_lowered:
.L_overlay_start_1:
0x0: {  	(tag) =	ssettag $0x1  }
0x1: {  	s0 =	srdreg.scid  }
0x2: {  	s5 =	rddreg [dreg:$0x0];
	s1 =	stileid.u32  }
0x3: {  	s2 =	rddreg [dreg:$0x1];
	s3 =	simm.s32 $0x0;
	s18 =	simm.s32 $0x80  }
0x4: {  	s19 =	simm.s32 $0x1;
	s6 =	sand.u32 $0x1, s0;
	s8 =	smul.u32 $0x4E400, s1  }
0x5: {  	[smem:$0x7FF] =	sst s3;
	s13 =	sadd.s32 $0x6FC00, s5;
	s15 =	smul.u32 $0x13800, s1  }
0x6: {  	s16 =	smul.u32 $0x4E000, s1;
	s21 =	sadd.s32 $0x138000, s2;
	p0 =	sne.s32 s1, $0x0  }
0x7: {  	s0 =	sshll.u32 s6, $0x4;
	s28 =	ssub.s32 $0x2, s6;
	s12 =	smul.u32 $0x138800, s6  }
0x8: {  	s21 =	sshrl.u32 @!p0 s21, $0x3;
	s4 =	sor.u32 s1, s0;
	s0 =	rddreg [dreg:$0x2]  }
0x9: {  	_ =	strace $0x8000004D;
	s29 =	sshrl.u32 s8, $0x2;
	s30 =	sshrl.u32 s28, $0x1  }
0xa: {  	s31 =	sshrl.u32 s16, $0x2;
	s16 =	simm.s32 $0x2;
	s7 =	smul.u32 $0x500, s4  }
0xb: {  	s4 =	sadd.s32 $0x3A00, s5;
	s14 =	ssub.s32 s28, s30;
	s15 =	sadd.s32 s15, s12  }
0xc: {  	s17 =	sshrl.u32 s12, $0x3;
	s20 =	sadd.s32 s31, s2;
	s15 =	sshrl.u32 s15, $0x3  }
0xd: {  	s14 =	smax.u32 s14, $0x1;
	s20 =	sshrl.u32 s20, $0x3;
	s11 =	sadd.s32 s7, s5  }
0xe: {  	s5 =	sadd.s32 s29, s2;
	s12 =	sadd.s32 s13, s15;
	s13 =	sadd.s32 s13, s17  }
0xf: {  	s15 =	simm.s32 $0x5000;
	s17 =	simm.s32 $0x2800;
	s6 =	sadd.s32 $0x4000, s5  }
0x10: {  	s7 =	sadd.s32 $0x8000, s5;
	s8 =	sadd.s32 $0xC000, s5;
	s9 =	sadd.s32 $0x10000, s5  }
0x11: {  	v0 =	vimm.f32 $0.0e+00;
	s10 =	sadd.s32 $0x65C00, s11;
	s11 =	sadd.s32 $0x5BC00, s11;
	s13 =	sadd.s32 $0x27000, s13  }
.LBB2_1:
0x12: {  	s22 =	simm.s32 $0x0;
	s23 =	simm.s32 $0x200  }
.LBB2_2:
0x13: {  	p1 =	sne.s32 s23, $0xFE00;
	[tilespmem:s22+$0x5070] =	vst v0  }
0x14: {  	[tilespmem:s22+$0x5000] =	vst v0  }
0x15: {  	[tilespmem:s22+$0x5010] =	vst v0  }
.Ltmp0:
0x16: {  	[tilespmem:s22+$0x5020] =	vst v0;
	(pc) =	sbr.rel @p1 .LBB2_2-.Ltmp0, $4  }
0x17: {  	[tilespmem:s22+$0x5030] =	vst v0  }
0x18: {  	[tilespmem:s22+$0x5040] =	vst v0  }
0x19: {  	[tilespmem:s22+$0x5050] =	vst v0  }
0x1a: {  	[tilespmem:s22+$0x5060] =	vst v0;
	s22 =	sshra.s32 s23, $0x2;
	s23 =	sadd.s32 $0x200, s23  }
0x1b: {  	[tilespmem:s22+$0x5070] =	vst v0  }
0x1c: {  	[tilespmem:s22+$0x5000] =	vst v0  }
0x1d: {  	[tilespmem:s22+$0x5010] =	vst v0  }
0x1e: {  	[tilespmem:s22+$0x5020] =	vst v0  }
0x1f: {  	[tilespmem:s22+$0x5030] =	vst v0  }
0x20: {  	[tilespmem:s22+$0x5040] =	vst v0  }
0x21: {  	[tilespmem:s22+$0x5050] =	vst v0  }
0x22: {  	[tilespmem:s22+$0x5060] =	vst v0  }
0x23: {  	[spmem:s5] =	stream.linear.scatter [tilespmem:s15], [sflag:$0x2], $0x4000, $0x38;
	[tilespmem:$0x1C900] =	vst v63  }
0x24: {  	_ =	swait.ge [sflag:s16], $0x4000  }
0x25: {  	[sflag:s16] =	ssyncset.done $0x0  }
0x26: {  	[sflag:s16] =	ssyncadd.s32 $0xFFFFC000  }
0x27: {  	[spmem:s6] =	stream.linear.scatter [tilespmem:s15], [sflag:$0x2], $0x4000, $0x38;
	[tilespmem:$0x1C900] =	vst v63  }
0x28: {  	_ =	swait.ge [sflag:s16], $0x4000  }
0x29: {  	[sflag:s16] =	ssyncset.done $0x0  }
0x2a: {  	[sflag:s16] =	ssyncadd.s32 $0xFFFFC000  }
0x2b: {  	[spmem:s7] =	stream.linear.scatter [tilespmem:s15], [sflag:$0x2], $0x4000, $0x38;
	[tilespmem:$0x1C900] =	vst v63  }
0x2c: {  	_ =	swait.ge [sflag:s16], $0x4000  }
0x2d: {  	[sflag:s16] =	ssyncset.done $0x0  }
0x2e: {  	[sflag:s16] =	ssyncadd.s32 $0xFFFFC000  }
0x2f: {  	[spmem:s8] =	stream.linear.scatter [tilespmem:s15], [sflag:$0x2], $0x4000, $0x38;
	[tilespmem:$0x1C900] =	vst v63  }
0x30: {  	_ =	swait.ge [sflag:s16], $0x4000  }
0x31: {  	[sflag:s16] =	ssyncset.done $0x0  }
0x32: {  	[sflag:s16] =	ssyncadd.s32 $0xFFFFC000  }
0x33: {  	[spmem:s9] =	stream.linear.scatter [tilespmem:s15], [sflag:$0x2], $0x3900, $0x38;
	[tilespmem:$0x1C900] =	vst v63  }
0x34: {  	_ =	swait.ge [sflag:s16], $0x3900  }
0x35: {  	[sflag:s16] =	ssyncset.done $0x0  }
0x36: {  	[sflag:s16] =	ssyncadd.s32 $0xFFFFC700  }
0x37: {  	s29 =	simm.s32 $0x0;
	[bflag:$0x0] =	sbarrier.arrive $0xFFFF  }
0x38: {  	[tilespmem:s29], [sflag:$0x2] =	stream.linear.gather [hbm4b:s10+s29], $0x2780, $0x38;
	[tilespmem:$0x1C900] =	vst v63  }
0x39: {  	_ =	swait.ge [sflag:s16], $0x2780  }
0x3a: {  	[sflag:s16] =	ssyncset.done $0x0  }
0x3b: {  	[sflag:s16] =	ssyncadd.s32 $0xFFFFD880  }
0x3c: {  	[tilespmem:s17], [sflag:$0x2] =	stream.linear.gather [hbm4b:s11+s29], $0x2780, $0x38;
	[tilespmem:$0x1C900] =	vst v63  }
0x3d: {  	_ =	swait.ge [sflag:s16], $0x2780  }
0x3e: {  	[sflag:s16] =	ssyncset.done $0x0  }
0x3f: {  	s30 =	simm.s32 $0x0;
	[sflag:s16] =	ssyncadd.s32 $0xFFFFD880  }
0x40: {  	[tilespmem:s15], [sflag:$0x1] =	stream.indirect.gather [hbm4b:s4+s18], $0x80, s30, s18, $0xb8;
	[tilespmem:$0x1C900] =	vst v63  }
0x41: {  	_ =	swait.ge [sflag:s19], $0x4000  }
0x42: {  	[sflag:s19] =	ssyncset.done $0x0  }
0x43: {  	s31 =	simm.s32 $0x2800;
	[sflag:s19] =	ssyncadd.s32 $0xFFFFC000  }
0x44: {  	[spmem:s2] =	stream.indirect.scatter.add.f32 [tilespmem:s15], [sflag:$0x2], $0x80, s31, s18, $0xb8;
	[tilespmem:$0x1C900] =	vst v63  }
0x45: {  	_ =	swait.ge [sflag:s16], $0x4000  }
0x46: {  	s22 =	simm.s32 $0x200;
	s23 =	simm.s32 $0x400;
	[sflag:s16] =	ssyncset.done $0x0  }
.LBB2_4:
0x47: {  	s24 =	sshra.s32 s22, $0x2  }
0x48: {  	[sflag:s16] =	ssyncadd.s32 $0xFFFFC000;
	s22 =	smov.u32 s23;
	s25 =	sadd.s32 $0x200, s23  }
0x49: {  	[tilespmem:s15], [sflag:$0x1] =	stream.indirect.gather [hbm4b:s4+s18], $0x80, s24, s18, $0xb8;
	[tilespmem:$0x1C900] =	vst v63  }
0x4a: {  	p1 =	sne.s32 s23, $0x9C00;
	_ =	swait.ge [sflag:s19], $0x4000  }
.Ltmp1:
0x4b: {  	[sflag:s19] =	ssyncset.done $0x0;
	(pc) =	sbr.rel @p1 .LBB2_4-.Ltmp1, $4  }
0x4c: {  	s23 =	sadd.s32 $0x2800, s24;
	[sflag:s19] =	ssyncadd.s32 $0xFFFFC000  }
0x4d: {  	[spmem:s2] =	stream.indirect.scatter.add.f32 [tilespmem:s15], [sflag:$0x2], $0x80, s23, s18, $0xb8;
	[tilespmem:$0x1C900] =	vst v63  }
0x4e: {  	_ =	swait.ge [sflag:s16], $0x4000  }
0x4f: {  	s23 =	smov.u32 s25;
	[sflag:s16] =	ssyncset.done $0x0  }
0x50: {  	s22 =	sshra.s32 s22, $0x2;
	[sflag:s16] =	ssyncadd.s32 $0xFFFFC000  }
0x51: {  	[tilespmem:s15], [sflag:$0x1] =	stream.indirect.gather [hbm4b:s4+s18], $0x80, s22, s18, $0xb8;
	[tilespmem:$0x1C900] =	vst v63  }
0x52: {  	_ =	swait.ge [sflag:s19], $0x4000  }
0x53: {  	[sflag:s19] =	ssyncset.done $0x0  }
0x54: {  	s22 =	sadd.s32 $0x2800, s22;
	[sflag:s19] =	ssyncadd.s32 $0xFFFFC000  }
0x55: {  	[spmem:s2] =	stream.indirect.scatter.add.f32 [tilespmem:s15], [sflag:$0x2], $0x80, s22, s18, $0xb8;
	[tilespmem:$0x1C900] =	vst v63  }
0x56: {  	_ =	swait.ge [sflag:s16], $0x4000  }
0x57: {  	[sflag:s16] =	ssyncset.done $0x0  }
0x58: {  	s31 =	sshll.u32 s1, $0x6;
	[sflag:s16] =	ssyncadd.s32 $0xFFFFC000  }
0x59: {  	s22 =	sor.u32 $0x1C02, s31;
	[bflag:$0x0] =	sbarrier.arrive $0xFFFF  }
0x5a: {  	[hbm:s12], [sflag:s22] =	dma.local [spmem:s20], $0x2700  }
0x5b: {  	_ =	swait.ge [sflag:s16], $0x2700  }
0x5c: {  	s3 =	sadd.s32 $0x1, s3;
	[sflag:s16] =	ssyncset.done $0x0  }
0x5d: {  	p1 =	sne.s32 s3, s14;
	[sflag:s16] =	ssyncadd.s32 $0xFFFFD900  }
0x5e: {  	[hbm:s13], [sflag:s22] =	dma.local @!p0 [spmem:s21], $0x100  }
.Ltmp2:
0x5f: {  	_ = 	snop;
	(pc) =	sbr.rel @p1 .LBB2_1-.Ltmp2, $4  }
0x60: {  	s22 =	simm.s32 @!p0 $0x2  }
0x61: {  	_ =	swait.ge @!p0 [sflag:s22], $0x100  }
0x62: {  	[sflag:s22] =	ssyncset.done @!p0 $0x0  }
0x63: {  	[sflag:s22] =	ssyncadd.s32 @!p0 $0xFFFFFF00  }
0x64: {  	_ =	sfence.sel $0x180000  }
0x65: {  	[bflag:$0x0] =	sbarrier.arrive $0xFFFF  }
0x66: {  	_ =	strace $0x9000004D  }
0x67: {  	s0 =	sadd.s32 @!p0 $0x100000, s0;
	[bflag:$0x2] =	sbarrier.arrive $0xFFFF  }
0x68: {  	[sflag:s0] =	ssyncadd.tile.s32 @!p0 $0x1;
	_ =	shalt  }
.Lfunc_end2:
_tile_overlayer_lowered:
.L_overlay_start_2:
0x69: {  	(tag) =	ssettag $0x2  }
0x6a: {  	s0 =	rddreg [dreg:$0x0];
	s2 =	stileid.u32  }
0x6b: {  	s1 =	rddreg [dreg:$0x1];
	p0 =	sne.s32 s2, $0x0  }
0x6c: {  	s3 =	rddreg [dreg:$0x2];
	[bflag:$0x3] =	sbarrier.arrive $0xFFFF;
	s2 =	simm.s32 @!p0 $0x1C02  }
0x6d: {  	[timem:s3], [sflag:s2] =	dma.local @!p0 [hbm:s0], s1  }
0x6e: {  	s0 =	simm.s32 @!p0 $0x2  }
0x6f: {  	_ =	swait.ge @!p0 [sflag:s0], s1  }
0x70: {  	s1 =	ssub.s32 @!p0 $0x0, s1;
	[sflag:s0] =	ssyncset.done @!p0 $0x0  }
0x71: {  	[sflag:s0] =	ssyncadd.s32 @!p0 s1  }
0x72: {  	[bflag:$0x3] =	sbarrier.arrive $0xFFFF  }
0x73: {  	_ =	shalt  }

// kernel: kernel.8.cloned.1.call-start
scs
__scs_entry_jumppad:
0x0: {  	(pc) =	sbr.rel $0x88, $3  }
0x1: {  	(tag) =	ssettag $0x0;
	lr =	simm.s32 $0x1  }
0x2: {  	[smem:$0x3F91] =	sst lr;
	_ =	strace $0xD0000000  }
0x3: {  	_ = 	snop  }
0x4: {  	_ = 	snop  }
0x5: {  	_ = 	snop  }
0x6: {  	_ = 	snop  }
0x7: {  	_ = 	snop  }
__scs_overlays_trampoline_lowered:
0x8: {  	[smem:$0x3FA0] =	sst s0  }
0x9: {  	[smem:$0x3FA1] =	sst s1  }
0xa: {  	[smem:$0x3FA2] =	sst s2  }
0xb: {  	[smem:$0x3FA3] =	sst s3  }
0xc: {  	[smem:$0x3FA4] =	sst s4  }
0xd: {  	[smem:$0x3FA5] =	sst s5  }
0xe: {  	[smem:$0x3FA6] =	sst s6  }
0xf: {  	[smem:$0x3FA7] =	sst s7  }
0x10: {  	[smem:$0x3FA8] =	sst s8  }
0x11: {  	[smem:$0x3FA9] =	sst s9;
	s0 =	simm.s32 @!p0 $0x0  }
0x12: {  	s1 =	sld [smem:$0x3F8F];
	s0 =	simm.s32 @p0 $0x1  }
0x13: {  	[smem:$0x3FAA] =	sst s0;
	s0 =	simm.s32 @!p1 $0x0  }
0x14: {  	s2 =	sld [smem:$0x3F8E];
	s0 =	simm.s32 @p1 $0x1  }
0x15: {  	[smem:$0x3FAB] =	sst s0;
	s0 =	simm.s32 @!p2 $0x0  }
0x16: {  	s3 =	sld [smem:$0x3FDB];
	s0 =	simm.s32 @p2 $0x1  }
0x17: {  	s4 =	simm.s32 $0x1BF5;
	[smem:$0x3FAD] =	sst s0  }
0x18: {  	s0 =	sld [smem:$0x3F90];
	_ =	swait.ge [sflag:s4], $0x0  }
0x19: {  	s7 =	sld [smem:$0x3F91]  }
0x1a: {  	s8 =	sadd.s32 $0xFFFFE003, lr  }
0x1b: {  	s9 =	sadd.s32 $0xFFFFFEF7, lr;
	s5 =	simm.s32 $0xFFFFFFFF;
	p2 =	slt.u32 s8, $0xFFFFF086  }
0x1c: {  	p1 =	slt.u32 s9, $0xF7A;
	s5 =	simm.s32 @!p2 $0x0  }
0x1d: {  	s5 =	simm.s32 @p1 $0x1;
	p0 =	seq.s32 s7, s2  }
0x1e: {  	s7 =	smul.u32 @!p0 $0xF7A, s2;
	p2 =	seq.s32 @!p0 s5, $0x0  }
0x1f: {  	s9 =	smul.u32 $0xF7A, s1;
	s8 =	simm.s32 @!p0 $0x1BF5;
	p2 =	por !p2, p0  }
0x20: {  	[sflag:s8] =	ssyncset.s32 @!p0 $0xFFFFF086;
	s6 =	sadd.s32 @!p0 s3, s7;
	s7 =	simm.s32 @!p0 $0x108  }
0x21: {  	s3 =	sadd.s32 s3, s9;
	s6 =	sadd.s32 @!p0 $0x88, s6;
	s7 =	simm.s32 @p2 $0x1082  }
0x22: {  	[simem:s7], [sflag:s8] =	dma.local @!p0 [hbm:s6], $0xF7A  }
0x23: {  	s9 =	sor.u32 $0xD0000000, s2;
	s6 =	simm.s32 $0x108;
	_ =	swait.ge @!p0 [sflag:s8], $0x0  }
0x24: {  	s3 =	sadd.s32 $0x88, s3;
	s6 =	simm.s32 @!p1 $0x1082;
	[sflag:s4] =	ssyncset.s32 $0xFFFFF086  }
0x25: {  	[simem:s6], [sflag:s4] =	dma.local [hbm:s3], $0xF7A  }
0x26: {  	[smem:$0x3F91] =	sst s1;
	(tag) =	ssettag s2;
	_ =	strace s9  }
0x27: {  	s1 =	sld [smem:$0x3FA1]  }
0x28: {  	s2 =	sld [smem:$0x3FA2]  }
0x29: {  	s4 =	sld [smem:$0x3FA4]  }
0x2a: {  	p0 =	seq.s32 s5, $0x0;
	s5 =	sld [smem:$0x3FA5]  }
0x2b: {  	s6 =	sld [smem:$0x3FA6]  }
0x2c: {  	s7 =	sld [smem:$0x3FA7]  }
0x2d: {  	s3 =	simm.s32 $0x108;
	s8 =	sld [smem:$0x3FA8]  }
0x2e: {  	s3 =	simm.s32 @!p0 $0x1082;
	s9 =	sld [smem:$0x3FA9]  }
0x2f: {  	lr =	sadd.s32 s0, s3;
	s0 =	sld [smem:$0x3FA0]  }
0x30: {  	s3 =	sld [smem:$0x3FA3]  }
0x31: {  	[smem:$0x3FAC] =	sst s10  }
0x32: {  	s10 =	sld [smem:$0x3FAA];
	_ =	sdelay $0x3  }
0x33: {  	p0 =	seq.s32 s10, $0x1;
	s10 =	sld [smem:$0x3FAC];
	_ =	sdelay $0x3  }
0x34: {  	[smem:$0x3FAC] =	sst s10  }
0x35: {  	s10 =	sld [smem:$0x3FAB];
	_ =	sdelay $0x3  }
0x36: {  	p1 =	seq.s32 s10, $0x1;
	s10 =	sld [smem:$0x3FAC];
	_ =	sdelay $0x3  }
0x37: {  	[smem:$0x3FAC] =	sst s10  }
0x38: {  	s10 =	sld [smem:$0x3FAD]  }
0x39: {  	_ = 	snop;
	(pc) =	sbr.ind lr, $3  }
0x3a: {  	_ = 	snop  }
0x3b: {  	_ = 	snop  }
0x3c: {  	p2 =	seq.s32 s10, $0x1;
	s10 =	sld [smem:$0x3FAC]  }
0x3d: {  	_ =	shalt  }
0x3e: {  	_ =	shalt  }
0x3f: {  	_ =	shalt  }
0x40: {  	_ =	shalt  }
0x41: {  	_ =	shalt  }
0x42: {  	_ =	shalt  }
0x43: {  	_ =	shalt  }
0x44: {  	_ =	shalt  }
0x45: {  	_ =	shalt  }
0x46: {  	_ =	shalt  }
0x47: {  	_ =	shalt  }
0x48: {  	_ =	shalt  }
0x49: {  	_ =	shalt  }
0x4a: {  	_ =	shalt  }
0x4b: {  	_ =	shalt  }
0x4c: {  	_ =	shalt  }
0x4d: {  	_ =	shalt  }
0x4e: {  	_ =	shalt  }
0x4f: {  	_ =	shalt  }
0x50: {  	_ =	shalt  }
0x51: {  	_ =	shalt  }
0x52: {  	_ =	shalt  }
0x53: {  	_ =	shalt  }
0x54: {  	_ =	shalt  }
0x55: {  	_ =	shalt  }
0x56: {  	_ =	shalt  }
0x57: {  	_ =	shalt  }
0x58: {  	_ =	shalt  }
0x59: {  	_ =	shalt  }
0x5a: {  	_ =	shalt  }
0x5b: {  	_ =	shalt  }
0x5c: {  	_ =	shalt  }
0x5d: {  	_ =	shalt  }
0x5e: {  	_ =	shalt  }
0x5f: {  	_ =	shalt  }
0x60: {  	_ =	shalt  }
0x61: {  	_ =	shalt  }
0x62: {  	_ =	shalt  }
0x63: {  	_ =	shalt  }
0x64: {  	_ =	shalt  }
0x65: {  	_ =	shalt  }
0x66: {  	_ =	shalt  }
0x67: {  	_ =	shalt  }
0x68: {  	_ =	shalt  }
0x69: {  	_ =	shalt  }
0x6a: {  	_ =	shalt  }
0x6b: {  	_ =	shalt  }
0x6c: {  	_ =	shalt  }
0x6d: {  	_ =	shalt  }
0x6e: {  	_ =	shalt  }
0x6f: {  	_ =	shalt  }
0x70: {  	_ =	shalt  }
0x71: {  	_ =	shalt  }
0x72: {  	_ =	shalt  }
0x73: {  	_ =	shalt  }
0x74: {  	_ =	shalt  }
0x75: {  	_ =	shalt  }
0x76: {  	_ =	shalt  }
0x77: {  	_ =	shalt  }
0x78: {  	_ =	shalt  }
0x79: {  	_ =	shalt  }
0x7a: {  	_ =	shalt  }
0x7b: {  	_ =	shalt  }
0x7c: {  	_ =	shalt  }
0x7d: {  	_ =	shalt  }
0x7e: {  	_ =	shalt  }
0x7f: {  	_ =	shalt  }
0x80: {  	_ =	shalt  }
0x81: {  	_ =	shalt  }
0x82: {  	_ =	shalt  }
0x83: {  	_ =	shalt  }
0x84: {  	_ =	shalt  }
0x85: {  	_ =	shalt  }
0x86: {  	_ =	shalt  }
0x87: {  	_ =	shalt  }
.Lfunc_end0:
.L_simem_size_0:
called_computation_lowered:
.L_overlay_start_0:
0x88: {  	s2 =	sld [smem:$0x3FD9]  }
0x89: {  	s3 =	sld [smem:$0x3FFE];
	_ =	sdelay $0x1  }
0x8a: {  	s1 =	srdreg.scid  }
0x8b: {  	s0 =	sand.u32 $0x1, s1  }
0x8c: {  	s16 =	sshll.u32 s0, $0xA;
	s2 =	sadd.s32 s3, s2  }
0x8d: {  	s2 =	sadd.s32 s2, s16  }
0x8e: {  	[smem:$0x3FB8] =	sst s2  }
0x8f: {  	_ = 	snop  }
0x90: {  	(tm) =	ssettm $0x1  }
0x91: {  	s17 =	sld [smem:$0x3FFB];
	_ =	sdelay $0x3  }
0x92: {  	_ =	strace s17  }
0x93: {  	s2 =	sld [smem:$0x3FFC];
	_ =	sdelay $0x3  }
0x94: {  	_ =	strace s2  }
0x95: {  	s2 =	sld [smem:$0x3FFD];
	_ =	sdelay $0x3  }
0x96: {  	_ =	strace s2  }
0x97: {  	_ =	strace $0x8FFFFFFF  }
0x98: {  	s18 =	sld [smem:$0x3FDB];
	_ =	sdelay $0x1  }
0x99: {  	s19 =	simm.s32 $_scs_section_size  }
0x9a: {  	s4 =	simm.s32 $_size__tile_overlayer_lowered;
	s5 =	simm.s32 $_tile_overlayer_lowered  }
0x9b: {  	s22 =	simm.s32 $0x1BFF;
	s21 =	sshll.u32 s5, $0x1;
	s2 =	sadd.s32 s19, s18  }
0x9c: {  	s6 =	simm.s32 $0x0;
	s20 =	sshll.u32 s4, $0x1;
	s4 =	sadd.s32 s21, s2  }
0x9d: {  	[timem:s6], [sflag:s22] =	dma.local [hbm:s4], s20  }
0x9e: {  	_ =	swait.ge [sflag:s22], s20  }
0x9f: {  	s3 =	ssub.s32 $0x0, s20;
	[sflag:s22] =	ssyncset.done $0x0  }
0xa0: {  	[sflag:s22] =	ssyncadd.s32 s3;
	_ =	sdelay $0x1  }
0xa1: {  	s23 =	simm.s32 $0x1B8B  }
0xa2: {  	_ =	swait.ge [sflag:s23], $0x1  }
0xa3: {  	[sflag:s23] =	ssyncset.done $0x0  }
0xa4: {  	s25 =	simm.s32 $0x1B8E;
	s24 =	sld [smem:$0x3FFE];
	[sflag:s23] =	ssyncadd.s32 $0xFFFFFFFF  }
0xa5: {  	s26 =	simm.s32 $execute0_lowered;
	[smem:$0x3FD2] =	sst s25  }
0xa6: {  	s4 =	sshll.u32 s26, $0x1;
	_ =	strace $0x80000046;
	[dreg:$0x1] =	wrdreg $0xFFFFFFFF  }
0xa7: {  	s28 =	simm.s32 $_size_execute0_lowered;
	s2 =	sadd.s32 s2, s4;
	[dreg:$0x0] =	wrdreg $0x0  }
0xa8: {  	s4 =	sshll.u32 s28, $0x1;
	[dreg:$0x2] =	wrdreg s2  }
0xa9: {  	[dreg:$0x3] =	wrdreg s4  }
0xaa: {  	[dreg:$0x4] =	wrdreg $0xC0  }
0xab: {  	_ =	task [dreg:s6], $0x5FFFF  }
0xac: {  	[dreg:$0x1] =	wrdreg $0xFFFFFFFF  }
0xad: {  	[dreg:$0x0] =	wrdreg $0x60  }
0xae: {  	[dreg:$0x2] =	wrdreg s24  }
0xaf: {  	[dreg:$0x3] =	wrdreg $0x68000  }
0xb0: {  	[dreg:$0x4] =	wrdreg $0x9  }
0xb1: {  	_ =	task.clear_ibuf [dreg:s6], $0x5FFFF;
	_ =	strace $0x90000046  }
0xb2: {  	s29 =	simm.s32 $0x9;
	_ =	strace $0x80000048  }
0xb3: {  	_ =	swait.ge [sflag:s29], $0x1  }
0xb4: {  	[sflag:s29] =	ssyncadd.s32 $0xFFFFFFFF  }
0xb5: {  	_ =	strace $0x90000048  }
0xb6: {  	_ =	sfence  }
0xb7: {  	s30 =	sld [smem:$0x0];
	_ =	sdelay $0x2  }
0xb8: {  	s31 =	sshll.u32 s1, $0xD;
	s1 =	sshrl.u32 s1, $0x2  }
0xb9: {  	s3 =	sand.u32 $0x4000, s31;
	s1 =	sadd.s32 s1, s30  }
0xba: {  	s0 =	sor.u32 s3, s0;
	s1 =	sshll.u32 s1, $0x11  }
0xbb: {  	s0 =	sor.u32 s1, s0  }
0xbc: {  	s0 =	sadd.s32 $0x8F2B, s0  }
0xbd: {  	[sflag:s0] =	ssyncadd.remote.s32 $0x1  }
0xbe: {  	_ =	sfence.sel $0xFFFF  }
0xbf: {  	[dreg:$0x0] =	wrdreg $0xFFFFFFFF;
	(pc) =	sbr.abs _section_cstart, $3  }
0xc0: {  	[dreg:$0x1] =	wrdreg $0xFFFFFFFF  }
0xc1: {  	_ =	task.clear_ibuf [dreg:s6], $0x2FFFF;
	_ =	strace $0x9FFFFFFF  }
0xc2: {  	(tm) =	ssettm $0x7FFFFFFF  }
0xc3: {  	_ =	shalt  }
tec
execute0_lowered:
.L_overlay_start_1:
0x0: {  	(tag) =	ssettag $0x1  }
0x1: {  	s0 =	srdreg.scid;
	s3 =	rddreg [dreg:$0x0]  }
0x2: {  	s1 =	rddreg [dreg:$0x1];
	s15 =	stileid.u32;
	s2 =	simm.s32 $0x0  }
0x3: {  	s4 =	sand.u32 $0x1, s0;
	s0 =	rddreg [dreg:$0x2];
	s6 =	smul.u32 $0x4E400, s15  }
0x4: {  	[smem:$0x7FF] =	sst s2;
	s12 =	smul.u32 $0x13800, s15  }
0x5: {  	s10 =	sadd.s32 $0xDA00, s3;
	s13 =	smul.u32 $0x4E000, s15;
	s17 =	sadd.s32 $0x138000, s1  }
0x6: {  	p0 =	sne.s32 s15, $0x0;
	s5 =	sshll.u32 s4, $0x4;
	_ =	strace $0x80000047  }
0x7: {  	s29 =	ssub.s32 $0x2, s4;
	s9 =	smul.u32 $0x138800, s4;
	s17 =	sshrl.u32 @!p0 s17, $0x3  }
0x8: {  	s5 =	sor.u32 s15, s5;
	s30 =	sshrl.u32 s29, $0x1;
	s6 =	sshrl.u32 s6, $0x2  }
0x9: {  	s31 =	sshrl.u32 s13, $0x2;
	s13 =	simm.s32 $0x1;
	s15 =	sshll.u32 s15, $0x6  }
0xa: {  	s5 =	smul.u32 $0x500, s5;
	s11 =	ssub.s32 s29, s30;
	s12 =	sadd.s32 s12, s9  }
0xb: {  	s14 =	sshrl.u32 s9, $0x3;
	s16 =	sadd.s32 s31, s1;
	s15 =	sor.u32 $0x1C01, s15  }
0xc: {  	s12 =	sshrl.u32 s12, $0x3;
	s11 =	smax.u32 s11, $0x1;
	s16 =	sshrl.u32 s16, $0x3  }
0xd: {  	s8 =	sadd.s32 s5, s3;
	s3 =	sadd.s32 s6, s1;
	s9 =	sadd.s32 s10, s12  }
0xe: {  	s10 =	sadd.s32 s10, s14;
	s12 =	simm.s32 $0x2800;
	s14 =	simm.s32 $0x80  }
0xf: {  	s4 =	sadd.s32 $0x4000, s3;
	s5 =	sadd.s32 $0x8000, s3;
	s6 =	sadd.s32 $0xC000, s3  }
0x10: {  	v0 =	vimm.f32 $0.0e+00;
	v1 =	vimm.f32 $1.000000000e+00;
	s7 =	sadd.s32 $0x10000, s3;
	s8 =	sadd.s32 $0x3A00, s8;
	s10 =	sadd.s32 $0x27000, s10  }
.LBB2_1:
0x11: {  	s18 =	simm.s32 $0x0;
	s19 =	simm.s32 $0x200  }
.LBB2_2:
0x12: {  	p1 =	sne.s32 s19, $0xFE00;
	[tilespmem:s18+$0x2870] =	vst v0  }
0x13: {  	[tilespmem:s18+$0x2800] =	vst v0  }
0x14: {  	[tilespmem:s18+$0x2810] =	vst v0  }
.Ltmp0:
0x15: {  	[tilespmem:s18+$0x2820] =	vst v0;
	(pc) =	sbr.rel @p1 .LBB2_2-.Ltmp0, $4  }
0x16: {  	[tilespmem:s18+$0x2830] =	vst v0  }
0x17: {  	[tilespmem:s18+$0x2840] =	vst v0  }
0x18: {  	[tilespmem:s18+$0x2850] =	vst v0  }
0x19: {  	[tilespmem:s18+$0x2860] =	vst v0;
	s18 =	sshra.s32 s19, $0x2;
	s19 =	sadd.s32 $0x200, s19  }
0x1a: {  	[tilespmem:s18+$0x2870] =	vst v0  }
0x1b: {  	[tilespmem:s18+$0x2800] =	vst v0  }
0x1c: {  	[tilespmem:s18+$0x2810] =	vst v0  }
0x1d: {  	[tilespmem:s18+$0x2820] =	vst v0  }
0x1e: {  	[tilespmem:s18+$0x2830] =	vst v0  }
0x1f: {  	[tilespmem:s18+$0x2840] =	vst v0  }
0x20: {  	[tilespmem:s18+$0x2850] =	vst v0  }
0x21: {  	[tilespmem:s18+$0x2860] =	vst v0  }
0x22: {  	[spmem:s3] =	stream.linear.scatter [tilespmem:s12], [sflag:$0x1], $0x4000, $0x38;
	[tilespmem:$0x1A100] =	vst v63  }
0x23: {  	_ =	swait.ge [sflag:s13], $0x4000  }
0x24: {  	[sflag:s13] =	ssyncset.done $0x0  }
0x25: {  	[sflag:s13] =	ssyncadd.s32 $0xFFFFC000  }
0x26: {  	[spmem:s4] =	stream.linear.scatter [tilespmem:s12], [sflag:$0x1], $0x4000, $0x38;
	[tilespmem:$0x1A100] =	vst v63  }
0x27: {  	_ =	swait.ge [sflag:s13], $0x4000  }
0x28: {  	[sflag:s13] =	ssyncset.done $0x0  }
0x29: {  	[sflag:s13] =	ssyncadd.s32 $0xFFFFC000  }
0x2a: {  	[spmem:s5] =	stream.linear.scatter [tilespmem:s12], [sflag:$0x1], $0x4000, $0x38;
	[tilespmem:$0x1A100] =	vst v63  }
0x2b: {  	_ =	swait.ge [sflag:s13], $0x4000  }
0x2c: {  	[sflag:s13] =	ssyncset.done $0x0  }
0x2d: {  	[sflag:s13] =	ssyncadd.s32 $0xFFFFC000  }
0x2e: {  	[spmem:s6] =	stream.linear.scatter [tilespmem:s12], [sflag:$0x1], $0x4000, $0x38;
	[tilespmem:$0x1A100] =	vst v63  }
0x2f: {  	_ =	swait.ge [sflag:s13], $0x4000  }
0x30: {  	[sflag:s13] =	ssyncset.done $0x0  }
0x31: {  	[sflag:s13] =	ssyncadd.s32 $0xFFFFC000  }
0x32: {  	[spmem:s7] =	stream.linear.scatter [tilespmem:s12], [sflag:$0x1], $0x3900, $0x38;
	[tilespmem:$0x1A100] =	vst v63  }
0x33: {  	_ =	swait.ge [sflag:s13], $0x3900  }
0x34: {  	[sflag:s13] =	ssyncset.done $0x0  }
0x35: {  	[sflag:s13] =	ssyncadd.s32 $0xFFFFC700  }
0x36: {  	s18 =	simm.s32 $0x0;
	s19 =	simm.s32 $0x200;
	[bflag:$0x0] =	sbarrier.arrive $0xFFFF  }
.LBB2_4:
0x37: {  	p1 =	sne.s32 s19, $0xFE00;
	[tilespmem:s18+$0x2870] =	vst v1  }
0x38: {  	[tilespmem:s18+$0x2800] =	vst v1  }
0x39: {  	[tilespmem:s18+$0x2810] =	vst v1  }
.Ltmp1:
0x3a: {  	[tilespmem:s18+$0x2820] =	vst v1;
	(pc) =	sbr.rel @p1 .LBB2_4-.Ltmp1, $4  }
0x3b: {  	[tilespmem:s18+$0x2830] =	vst v1  }
0x3c: {  	[tilespmem:s18+$0x2840] =	vst v1  }
0x3d: {  	[tilespmem:s18+$0x2850] =	vst v1  }
0x3e: {  	[tilespmem:s18+$0x2860] =	vst v1;
	s18 =	sshra.s32 s19, $0x2;
	s19 =	sadd.s32 $0x200, s19  }
0x3f: {  	[tilespmem:s18+$0x2870] =	vst v1  }
0x40: {  	[tilespmem:s18+$0x2800] =	vst v1  }
0x41: {  	[tilespmem:s18+$0x2810] =	vst v1  }
0x42: {  	[tilespmem:s18+$0x2820] =	vst v1  }
0x43: {  	[tilespmem:s18+$0x2830] =	vst v1  }
0x44: {  	[tilespmem:s18+$0x2840] =	vst v1  }
0x45: {  	[tilespmem:s18+$0x2850] =	vst v1  }
0x46: {  	[tilespmem:s18+$0x2860] =	vst v1;
	s30 =	simm.s32 $0x0  }
0x47: {  	[tilespmem:s30], [sflag:$0x1] =	stream.linear.gather [hbm4b:s8+s30], $0x2780, $0x38;
	[tilespmem:$0x1A100] =	vst v63  }
0x48: {  	_ =	swait.ge [sflag:s13], $0x2780  }
0x49: {  	[sflag:s13] =	ssyncset.done $0x0  }
0x4a: {  	s31 =	simm.s32 $0x0;
	[sflag:s13] =	ssyncadd.s32 $0xFFFFD880  }
0x4b: {  	[spmem:s1] =	stream.indirect.scatter.add.f32 [tilespmem:s12], [sflag:$0x1], $0x80, s31, s14, $0xb8;
	[tilespmem:$0x1A100] =	vst v63  }
0x4c: {  	_ =	swait.ge [sflag:s13], $0x4000  }
0x4d: {  	s18 =	simm.s32 $0x200;
	[sflag:s13] =	ssyncset.done $0x0  }
.LBB2_6:
0x4e: {  	s19 =	sshra.s32 s18, $0x2;
	[sflag:s13] =	ssyncadd.s32 $0xFFFFC000;
	p1 =	sne.s32 s18, $0x9C00  }
0x4f: {  	[spmem:s1] =	stream.indirect.scatter.add.f32 [tilespmem:s12], [sflag:$0x1], $0x80, s19, s14, $0xb8;
	[tilespmem:$0x1A100] =	vst v63  }
.Ltmp2:
0x50: {  	_ = 	snop;
	(pc) =	sbr.rel @p1 .LBB2_6-.Ltmp2, $4  }
0x51: {  	_ = 	snop  }
0x52: {  	s18 =	sadd.s32 $0x200, s18  }
0x53: {  	_ =	swait.ge [sflag:s13], $0x4000  }
0x54: {  	[sflag:s13] =	ssyncset.done $0x0  }
0x55: {  	[sflag:s13] =	ssyncadd.s32 $0xFFFFC000  }
0x56: {  	[bflag:$0x0] =	sbarrier.arrive $0xFFFF  }
0x57: {  	[hbm:s9], [sflag:s15] =	dma.local [spmem:s16], $0x2700  }
0x58: {  	s2 =	sadd.s32 $0x1, s2;
	_ =	swait.ge [sflag:s13], $0x2700  }
0x59: {  	p1 =	sne.s32 s2, s11;
	[sflag:s13] =	ssyncset.done $0x0  }
.Ltmp3:
0x5a: {  	s18 =	simm.s32 @!p0 $0x1;
	[sflag:s13] =	ssyncadd.s32 $0xFFFFD900;
	(pc) =	sbr.rel @p1 .LBB2_1-.Ltmp3, $4  }
0x5b: {  	[hbm:s10], [sflag:s15] =	dma.local @!p0 [spmem:s17], $0x100  }
0x5c: {  	_ =	swait.ge @!p0 [sflag:s18], $0x100  }
0x5d: {  	[sflag:s18] =	ssyncset.done @!p0 $0x0  }
0x5e: {  	[sflag:s18] =	ssyncadd.s32 @!p0 $0xFFFFFF00  }
0x5f: {  	_ =	sfence.sel $0x180000  }
0x60: {  	[bflag:$0x0] =	sbarrier.arrive $0xFFFF  }
0x61: {  	_ =	strace $0x90000047  }
0x62: {  	s0 =	sadd.s32 @!p0 $0x100000, s0;
	[bflag:$0x2] =	sbarrier.arrive $0xFFFF  }
0x63: {  	[sflag:s0] =	ssyncadd.tile.s32 @!p0 $0x1;
	_ =	shalt  }
.Lfunc_end2:
_tile_overlayer_lowered:
.L_overlay_start_2:
0x64: {  	(tag) =	ssettag $0x2  }
0x65: {  	s0 =	rddreg [dreg:$0x0];
	s2 =	stileid.u32  }
0x66: {  	s1 =	rddreg [dreg:$0x1];
	p0 =	sne.s32 s2, $0x0  }
0x67: {  	s3 =	rddreg [dreg:$0x2];
	[bflag:$0x3] =	sbarrier.arrive $0xFFFF;
	s2 =	simm.s32 @!p0 $0x1C01  }
0x68: {  	[timem:s3], [sflag:s2] =	dma.local @!p0 [hbm:s0], s1  }
0x69: {  	s0 =	simm.s32 @!p0 $0x1  }
0x6a: {  	_ =	swait.ge @!p0 [sflag:s0], s1  }
0x6b: {  	s1 =	ssub.s32 @!p0 $0x0, s1;
	[sflag:s0] =	ssyncset.done @!p0 $0x0  }
0x6c: {  	[sflag:s0] =	ssyncadd.s32 @!p0 s1  }
0x6d: {  	[bflag:$0x3] =	sbarrier.arrive $0xFFFF  }
0x6e: {  	_ =	shalt  }

</sc_bundles>
